<compile_context>
chip_gen: v7x
topology: tpu7x:2x2x1
jax: 0.10.2.dev20260603
libtpu: 0.0.44.dev20260713+nightly
codegen_flags: <defaults>
</compile_context>

<pallas_src>
import jax
import jax.numpy as jnp
import numpy as np
from jax import lax
from jax.experimental import pallas as pl
from jax.experimental.pallas import tpu as pltpu
from jax.experimental.pallas import tpu_sc as plsc

B = 16
N = 8192
NPTS = 2048
L = 16
HALF = N // 2
CHUNKS = HALF // L

_NEG = np.float32(-np.inf)
_INF = np.float32(np.inf)
_BIGI = np.int32(2**31 - 1)


def _fps_body(pos_hbm, start_hbm, out_hbm, x_v, y_v, z_v, xh_v, yh_v, zh_v,
              dist_v, res_v, start_v, rec_v, prec_v, shared, sem):
    c = lax.axis_index("c")
    s = lax.axis_index("s")
    b = c * 8 + lax.shift_right_logical(s, 1)
    h = lax.bitwise_and(s, 1)
    off = h * HALF

    pltpu.sync_copy(pos_hbm.at[b, 0], x_v)
    pltpu.sync_copy(pos_hbm.at[b, 1], y_v)
    pltpu.sync_copy(pos_hbm.at[b, 2], z_v)
    pltpu.sync_copy(pos_hbm.at[b, 0, pl.ds(off, HALF)], xh_v)
    pltpu.sync_copy(pos_hbm.at[b, 1, pl.ds(off, HALF)], yh_v)
    pltpu.sync_copy(pos_hbm.at[b, 2, pl.ds(off, HALF)], zh_v)
    pltpu.sync_copy(start_hbm, start_v)

    lanes = lax.iota(jnp.int32, L)
    lane0 = lanes == 0
    zeros = jnp.zeros((L,), jnp.int32)
    ones = jnp.full((L,), 1, jnp.int32)
    fv0 = start_v[...]

    plsc.store_scatter(res_v, [zeros], fv0, mask=lane0)

    def initc(j, carry):
        dist_v[pl.ds(j * L, L)] = jnp.full((L,), _INF)
        return carry

    lax.fori_loop(0, CHUNKS, initc, 0)

    def step(i, _):
        fv = plsc.load_gather(res_v, [jnp.full((L,), i)])
        cx = plsc.load_gather(x_v, [fv])
        cy = plsc.load_gather(y_v, [fv])
        cz = plsc.load_gather(z_v, [fv])

        U = 4

        def chunk(j, carry):
            vmax, vidx, base = carry
            sls = [pl.ds(j * U * L + u * L, L) for u in range(U)]
            dms = []
            for sl in sls:
                dx = xh_v[sl] - cx
                dy = yh_v[sl] - cy
                dz = zh_v[sl] - cz
                d = dx * dx + dy * dy + dz * dz
                dm = jnp.minimum(dist_v[sl], d)
                dms.append(dm)
            for u, (sl, dm) in enumerate(zip(sls, dms)):
                dist_v[sl] = dm
                m = dm > vmax
                vmax = jnp.where(m, dm, vmax)
                vidx = jnp.where(m, base + u * L, vidx)
            return vmax, vidx, base + U * L

        vmax, vidx, _ = lax.fori_loop(
            0, CHUNKS // U, chunk,
            (jnp.full((L,), _NEG), jnp.full((L,), _BIGI), off + lanes),
        )
        gmax = jnp.max(vmax)
        myidx = jnp.min(jnp.where(vmax == gmax, vidx, _BIGI))
        gmax_v = jnp.full((L,), gmax)
        myidx_v = jnp.full((L,), myidx)

        p = lax.bitwise_and(i, 1)
        rec_v[...] = jnp.where(lane0, gmax_v, plsc.bitcast(myidx_v, jnp.float32))
        pltpu.sync_copy(rec_v, shared.at[s, p])
        plsc.subcore_barrier()
        pltpu.sync_copy(shared.at[lax.bitwise_xor(s, 1), p], prec_v)

        omax_v = plsc.load_gather(prec_v, [zeros])
        oidx_v = plsc.bitcast(plsc.load_gather(prec_v, [ones]), jnp.int32)
        better = (omax_v > gmax_v) | ((omax_v == gmax_v) & (oidx_v < myidx_v))
        nxt_v = jnp.where(better, oidx_v, myidx_v)

        plsc.store_scatter(res_v, [jnp.full((L,), i + 1)], nxt_v, mask=lane0)
        return 0

    lax.fori_loop(0, NPTS - 1, step, 0)

    @pl.when(h == 0)
    def _():
        pltpu.sync_copy(res_v, out_hbm.at[b])


@jax.jit
def _fps_call(pos_t, start):
    mesh = plsc.VectorSubcoreMesh(
        core_axis_name="c", subcore_axis_name="s", num_cores=2, num_subcores=16
    )
    return pl.kernel(
        _fps_body,
        out_type=jax.ShapeDtypeStruct((B, NPTS), jnp.int32),
        mesh=mesh,
        compiler_params=pltpu.CompilerParams(
            use_tc_tiling_on_sc=False, needs_layout_passes=False
        ),
        scratch_types=[
            pltpu.VMEM((N,), jnp.float32),
            pltpu.VMEM((N,), jnp.float32),
            pltpu.VMEM((N,), jnp.float32),
            pltpu.VMEM((HALF,), jnp.float32),
            pltpu.VMEM((HALF,), jnp.float32),
            pltpu.VMEM((HALF,), jnp.float32),
            pltpu.VMEM((HALF,), jnp.float32),
            pltpu.VMEM((NPTS,), jnp.int32),
            pltpu.VMEM((L,), jnp.int32),
            pltpu.VMEM((L,), jnp.float32),
            pltpu.VMEM((L,), jnp.float32),
            pltpu.VMEM_SHARED((16, 2, L), jnp.float32),
            pltpu.SemaphoreType.DMA,
        ],
    )(pos_t, start)


def kernel(pos, start_idx):
    pos_t = jnp.transpose(pos, (0, 2, 1))
    start = jnp.full((L,), start_idx, dtype=jnp.int32)
    return _fps_call(pos_t, start)

# --- scband reference (transcript-rebuilt; emitter-appended) ---
"""Pipeline reference for scband-farthest-point-sampler-11647951307128 (READ-ONLY COPY).

The authoritative reference and input builder live on the scoring server;
editing this copy changes nothing except your own understanding.
"""

import jax, jax.numpy as jnp
import numpy as np
from functools import partial

NPOINTS = 2048

def setup_inputs(seed: int = 0) -> dict:
    key = jax.random.key(seed)
    pos = jax.random.normal(key, (16, 8192, 3), dtype=jnp.float32)
    return {"pos": pos, "start_idx": 0}


def _fps(pos, start_idx, npoints):
    B, N, C = pos.shape
    batch_idx = jnp.arange(B)
    start = jnp.full((B,), start_idx, dtype=jnp.int32)
    result = jnp.zeros((B, npoints), dtype=jnp.int32).at[:, 0].set(start)
    dist = jnp.full((B, N), jnp.inf, dtype=pos.dtype)

    def body(i, carry):
        dist, result = carry
        farthest = result[:, i]
        cur = pos[batch_idx, farthest]  # (B, C) gather
        d = jnp.sum((pos - cur[:, None, :]) ** 2, axis=-1)  # (B, N)
        dist = jnp.minimum(dist, d)
        nxt = jnp.argmax(dist, axis=1).astype(jnp.int32)
        result = result.at[:, i + 1].set(nxt)
        return (dist, result)

    dist, result = jax.lax.fori_loop(0, npoints - 1, body, (dist, result))
    return result


def reference(pos, start_idx):
    # Faithful farthest-point sampling: maintain per-point min distance to the
    # current sample set; iteratively pick the point with max such distance.
    return _fps(pos, start_idx, NPOINTS)

if __name__ == "__main__":
    import jax
    _d = setup_inputs()
    print(jax.jit(kernel)(*tuple(_d.values())))

</pallas_src>

<mosaic_0001>
#map = affine_map<(d0, d1) -> (0, 0, 0)>
#map1 = affine_map<(d0, d1) -> (0)>
#map2 = affine_map<(d0, d1) -> (0, 0)>
module attributes {stable_mosaic.version = 14 : i64} {
  func.func @_fps_body(%arg0: i32, %arg1: i32, %arg2: memref<16x3x8192xf32, #tpu.memory_space<hbm>>, %arg3: memref<16xi32, #tpu.memory_space<hbm>>, %arg4: memref<16x2048xi32, #tpu.memory_space<hbm>>, %arg5: memref<8192xf32, #tpu.memory_space<vmem>>, %arg6: memref<8192xf32, #tpu.memory_space<vmem>>, %arg7: memref<8192xf32, #tpu.memory_space<vmem>>, %arg8: memref<4096xf32, #tpu.memory_space<vmem>>, %arg9: memref<4096xf32, #tpu.memory_space<vmem>>, %arg10: memref<4096xf32, #tpu.memory_space<vmem>>, %arg11: memref<4096xf32, #tpu.memory_space<vmem>>, %arg12: memref<2048xi32, #tpu.memory_space<vmem>>, %arg13: memref<16xi32, #tpu.memory_space<vmem>>, %arg14: memref<16xf32, #tpu.memory_space<vmem>>, %arg15: memref<16xf32, #tpu.memory_space<vmem>>, %arg16: memref<16x2x16xf32, #tpu.memory_space<vmem_shared>>, %arg17: memref<!tpu.dma_semaphore, #tpu.memory_space<semaphore_mem>>) attributes {dimension_semantics = [#tpu.dimension_semantics<core_parallel>, #tpu.dimension_semantics<subcore_parallel>], iteration_bounds = array<i64: 2, 16>, scalar_prefetch = 0 : i64, scratch_operands = 13 : i64, tpu.core_type = #tpu.core_type<sc_vector_subcore>, window_params = [{transform_indices = #map}, {transform_indices = #map1}, {transform_indices = #map2}]} {
    %mul3A = arith.constant 8 : i32
    %mul3A_0 = arith.muli %arg0, %mul3A : i32
    %shift_right_logical3A = arith.constant 1 : i32
    %shift_right_logical3A_1 = arith.shrui %arg1, %shift_right_logical3A : i32
    %add3A = arith.addi %mul3A_0, %shift_right_logical3A_1 : i32
    %and3A = arith.constant 1 : i32
    %and3A_2 = arith.andi %arg1, %and3A : i32
    %mul3A_3 = arith.constant 4096 : i32
    %mul3A_4 = arith.muli %and3A_2, %mul3A_3 : i32
    %run_scoped3A = arith.constant 0 : i32
    "tpu.region"() ({
      %run_scoped3A_31 = tpu.sem_alloc : memref<!tpu.dma_semaphore, #tpu.memory_space<semaphore_mem>>
      %dma_start3A = arith.constant 0 : i32
      %dma_start3A_32 = tpu.memref_slice %arg2[%add3A, %run_scoped3A, %dma_start3A] : memref<16x3x8192xf32, #tpu.memory_space<hbm>> -> memref<1x1x8192xf32, #tpu.memory_space<hbm>>
      %dma_start3A_33 = tpu.memref_squeeze %dma_start3A_32 : memref<1x1x8192xf32, #tpu.memory_space<hbm>> -> memref<8192xf32, #tpu.memory_space<hbm>>
      %dma_start3A_34 = arith.constant 0 : i32
      %dma_start3A_35 = tpu.memref_slice %arg2[%add3A, %run_scoped3A, %dma_start3A_34] : memref<16x3x8192xf32, #tpu.memory_space<hbm>> -> memref<1x1x8192xf32, #tpu.memory_space<hbm>>
      %dma_start3A_36 = tpu.memref_squeeze %dma_start3A_35 : memref<1x1x8192xf32, #tpu.memory_space<hbm>> -> memref<8192xf32, #tpu.memory_space<hbm>>
      tpu.enqueue_dma source(%dma_start3A_36 : memref<8192xf32, #tpu.memory_space<hbm>>) target(%arg5 : memref<8192xf32, #tpu.memory_space<vmem>>) target_semaphore(%run_scoped3A_31 : memref<!tpu.dma_semaphore, #tpu.memory_space<semaphore_mem>>)
      %dma_wait3A = arith.constant 0 : i32
      %dma_wait3A_37 = tpu.memref_slice %arg2[%add3A, %run_scoped3A, %dma_wait3A] : memref<16x3x8192xf32, #tpu.memory_space<hbm>> -> memref<1x1x8192xf32, #tpu.memory_space<hbm>>
      %dma_wait3A_38 = tpu.memref_squeeze %dma_wait3A_37 : memref<1x1x8192xf32, #tpu.memory_space<hbm>> -> memref<8192xf32, #tpu.memory_space<hbm>>
      %dma_wait3A_39 = arith.constant 0 : i32
      %dma_wait3A_40 = tpu.memref_slice %arg2[%add3A, %run_scoped3A, %dma_wait3A_39] : memref<16x3x8192xf32, #tpu.memory_space<hbm>> -> memref<1x1x8192xf32, #tpu.memory_space<hbm>>
      %dma_wait3A_41 = tpu.memref_squeeze %dma_wait3A_40 : memref<1x1x8192xf32, #tpu.memory_space<hbm>> -> memref<8192xf32, #tpu.memory_space<hbm>>
      tpu.wait_dma2 semaphore(%run_scoped3A_31 : memref<!tpu.dma_semaphore, #tpu.memory_space<semaphore_mem>>) src(%dma_wait3A_41 : memref<8192xf32, #tpu.memory_space<hbm>>) dst(%arg5 : memref<8192xf32, #tpu.memory_space<vmem>>)
      tpu.yield
    }) : () -> ()
    %run_scoped3A_5 = arith.constant 1 : i32
    "tpu.region"() ({
      %run_scoped3A_31 = tpu.sem_alloc : memref<!tpu.dma_semaphore, #tpu.memory_space<semaphore_mem>>
      %dma_start3A = arith.constant 0 : i32
      %dma_start3A_32 = tpu.memref_slice %arg2[%add3A, %run_scoped3A_5, %dma_start3A] : memref<16x3x8192xf32, #tpu.memory_space<hbm>> -> memref<1x1x8192xf32, #tpu.memory_space<hbm>>
      %dma_start3A_33 = tpu.memref_squeeze %dma_start3A_32 : memref<1x1x8192xf32, #tpu.memory_space<hbm>> -> memref<8192xf32, #tpu.memory_space<hbm>>
      %dma_start3A_34 = arith.constant 0 : i32
      %dma_start3A_35 = tpu.memref_slice %arg2[%add3A, %run_scoped3A_5, %dma_start3A_34] : memref<16x3x8192xf32, #tpu.memory_space<hbm>> -> memref<1x1x8192xf32, #tpu.memory_space<hbm>>
      %dma_start3A_36 = tpu.memref_squeeze %dma_start3A_35 : memref<1x1x8192xf32, #tpu.memory_space<hbm>> -> memref<8192xf32, #tpu.memory_space<hbm>>
      tpu.enqueue_dma source(%dma_start3A_36 : memref<8192xf32, #tpu.memory_space<hbm>>) target(%arg6 : memref<8192xf32, #tpu.memory_space<vmem>>) target_semaphore(%run_scoped3A_31 : memref<!tpu.dma_semaphore, #tpu.memory_space<semaphore_mem>>)
      %dma_wait3A = arith.constant 0 : i32
      %dma_wait3A_37 = tpu.memref_slice %arg2[%add3A, %run_scoped3A_5, %dma_wait3A] : memref<16x3x8192xf32, #tpu.memory_space<hbm>> -> memref<1x1x8192xf32, #tpu.memory_space<hbm>>
      %dma_wait3A_38 = tpu.memref_squeeze %dma_wait3A_37 : memref<1x1x8192xf32, #tpu.memory_space<hbm>> -> memref<8192xf32, #tpu.memory_space<hbm>>
      %dma_wait3A_39 = arith.constant 0 : i32
      %dma_wait3A_40 = tpu.memref_slice %arg2[%add3A, %run_scoped3A_5, %dma_wait3A_39] : memref<16x3x8192xf32, #tpu.memory_space<hbm>> -> memref<1x1x8192xf32, #tpu.memory_space<hbm>>
      %dma_wait3A_41 = tpu.memref_squeeze %dma_wait3A_40 : memref<1x1x8192xf32, #tpu.memory_space<hbm>> -> memref<8192xf32, #tpu.memory_space<hbm>>
      tpu.wait_dma2 semaphore(%run_scoped3A_31 : memref<!tpu.dma_semaphore, #tpu.memory_space<semaphore_mem>>) src(%dma_wait3A_41 : memref<8192xf32, #tpu.memory_space<hbm>>) dst(%arg6 : memref<8192xf32, #tpu.memory_space<vmem>>)
      tpu.yield
    }) : () -> ()
    %run_scoped3A_6 = arith.constant 2 : i32
    "tpu.region"() ({
      %run_scoped3A_31 = tpu.sem_alloc : memref<!tpu.dma_semaphore, #tpu.memory_space<semaphore_mem>>
      %dma_start3A = arith.constant 0 : i32
      %dma_start3A_32 = tpu.memref_slice %arg2[%add3A, %run_scoped3A_6, %dma_start3A] : memref<16x3x8192xf32, #tpu.memory_space<hbm>> -> memref<1x1x8192xf32, #tpu.memory_space<hbm>>
      %dma_start3A_33 = tpu.memref_squeeze %dma_start3A_32 : memref<1x1x8192xf32, #tpu.memory_space<hbm>> -> memref<8192xf32, #tpu.memory_space<hbm>>
      %dma_start3A_34 = arith.constant 0 : i32
      %dma_start3A_35 = tpu.memref_slice %arg2[%add3A, %run_scoped3A_6, %dma_start3A_34] : memref<16x3x8192xf32, #tpu.memory_space<hbm>> -> memref<1x1x8192xf32, #tpu.memory_space<hbm>>
      %dma_start3A_36 = tpu.memref_squeeze %dma_start3A_35 : memref<1x1x8192xf32, #tpu.memory_space<hbm>> -> memref<8192xf32, #tpu.memory_space<hbm>>
      tpu.enqueue_dma source(%dma_start3A_36 : memref<8192xf32, #tpu.memory_space<hbm>>) target(%arg7 : memref<8192xf32, #tpu.memory_space<vmem>>) target_semaphore(%run_scoped3A_31 : memref<!tpu.dma_semaphore, #tpu.memory_space<semaphore_mem>>)
      %dma_wait3A = arith.constant 0 : i32
      %dma_wait3A_37 = tpu.memref_slice %arg2[%add3A, %run_scoped3A_6, %dma_wait3A] : memref<16x3x8192xf32, #tpu.memory_space<hbm>> -> memref<1x1x8192xf32, #tpu.memory_space<hbm>>
      %dma_wait3A_38 = tpu.memref_squeeze %dma_wait3A_37 : memref<1x1x8192xf32, #tpu.memory_space<hbm>> -> memref<8192xf32, #tpu.memory_space<hbm>>
      %dma_wait3A_39 = arith.constant 0 : i32
      %dma_wait3A_40 = tpu.memref_slice %arg2[%add3A, %run_scoped3A_6, %dma_wait3A_39] : memref<16x3x8192xf32, #tpu.memory_space<hbm>> -> memref<1x1x8192xf32, #tpu.memory_space<hbm>>
      %dma_wait3A_41 = tpu.memref_squeeze %dma_wait3A_40 : memref<1x1x8192xf32, #tpu.memory_space<hbm>> -> memref<8192xf32, #tpu.memory_space<hbm>>
      tpu.wait_dma2 semaphore(%run_scoped3A_31 : memref<!tpu.dma_semaphore, #tpu.memory_space<semaphore_mem>>) src(%dma_wait3A_41 : memref<8192xf32, #tpu.memory_space<hbm>>) dst(%arg7 : memref<8192xf32, #tpu.memory_space<vmem>>)
      tpu.yield
    }) : () -> ()
    %run_scoped3A_7 = arith.constant 0 : i32
    "tpu.region"() ({
      %run_scoped3A_31 = tpu.sem_alloc : memref<!tpu.dma_semaphore, #tpu.memory_space<semaphore_mem>>
      %dma_start3A = tpu.memref_slice %arg2[%add3A, %run_scoped3A_7, %mul3A_4] : memref<16x3x8192xf32, #tpu.memory_space<hbm>> -> memref<1x1x4096xf32, #tpu.memory_space<hbm>>
      %dma_start3A_32 = tpu.memref_squeeze %dma_start3A : memref<1x1x4096xf32, #tpu.memory_space<hbm>> -> memref<4096xf32, #tpu.memory_space<hbm>>
      %dma_start3A_33 = tpu.memref_slice %arg2[%add3A, %run_scoped3A_7, %mul3A_4] : memref<16x3x8192xf32, #tpu.memory_space<hbm>> -> memref<1x1x4096xf32, #tpu.memory_space<hbm>>
      %dma_start3A_34 = tpu.memref_squeeze %dma_start3A_33 : memref<1x1x4096xf32, #tpu.memory_space<hbm>> -> memref<4096xf32, #tpu.memory_space<hbm>>
      tpu.enqueue_dma source(%dma_start3A_34 : memref<4096xf32, #tpu.memory_space<hbm>>) target(%arg8 : memref<4096xf32, #tpu.memory_space<vmem>>) target_semaphore(%run_scoped3A_31 : memref<!tpu.dma_semaphore, #tpu.memory_space<semaphore_mem>>)
      %dma_wait3A = tpu.memref_slice %arg2[%add3A, %run_scoped3A_7, %mul3A_4] : memref<16x3x8192xf32, #tpu.memory_space<hbm>> -> memref<1x1x4096xf32, #tpu.memory_space<hbm>>
      %dma_wait3A_35 = tpu.memref_squeeze %dma_wait3A : memref<1x1x4096xf32, #tpu.memory_space<hbm>> -> memref<4096xf32, #tpu.memory_space<hbm>>
      %dma_wait3A_36 = tpu.memref_slice %arg2[%add3A, %run_scoped3A_7, %mul3A_4] : memref<16x3x8192xf32, #tpu.memory_space<hbm>> -> memref<1x1x4096xf32, #tpu.memory_space<hbm>>
      %dma_wait3A_37 = tpu.memref_squeeze %dma_wait3A_36 : memref<1x1x4096xf32, #tpu.memory_space<hbm>> -> memref<4096xf32, #tpu.memory_space<hbm>>
      tpu.wait_dma2 semaphore(%run_scoped3A_31 : memref<!tpu.dma_semaphore, #tpu.memory_space<semaphore_mem>>) src(%dma_wait3A_37 : memref<4096xf32, #tpu.memory_space<hbm>>) dst(%arg8 : memref<4096xf32, #tpu.memory_space<vmem>>)
      tpu.yield
    }) : () -> ()
    %run_scoped3A_8 = arith.constant 1 : i32
    "tpu.region"() ({
      %run_scoped3A_31 = tpu.sem_alloc : memref<!tpu.dma_semaphore, #tpu.memory_space<semaphore_mem>>
      %dma_start3A = tpu.memref_slice %arg2[%add3A, %run_scoped3A_8, %mul3A_4] : memref<16x3x8192xf32, #tpu.memory_space<hbm>> -> memref<1x1x4096xf32, #tpu.memory_space<hbm>>
      %dma_start3A_32 = tpu.memref_squeeze %dma_start3A : memref<1x1x4096xf32, #tpu.memory_space<hbm>> -> memref<4096xf32, #tpu.memory_space<hbm>>
      %dma_start3A_33 = tpu.memref_slice %arg2[%add3A, %run_scoped3A_8, %mul3A_4] : memref<16x3x8192xf32, #tpu.memory_space<hbm>> -> memref<1x1x4096xf32, #tpu.memory_space<hbm>>
      %dma_start3A_34 = tpu.memref_squeeze %dma_start3A_33 : memref<1x1x4096xf32, #tpu.memory_space<hbm>> -> memref<4096xf32, #tpu.memory_space<hbm>>
      tpu.enqueue_dma source(%dma_start3A_34 : memref<4096xf32, #tpu.memory_space<hbm>>) target(%arg9 : memref<4096xf32, #tpu.memory_space<vmem>>) target_semaphore(%run_scoped3A_31 : memref<!tpu.dma_semaphore, #tpu.memory_space<semaphore_mem>>)
      %dma_wait3A = tpu.memref_slice %arg2[%add3A, %run_scoped3A_8, %mul3A_4] : memref<16x3x8192xf32, #tpu.memory_space<hbm>> -> memref<1x1x4096xf32, #tpu.memory_space<hbm>>
      %dma_wait3A_35 = tpu.memref_squeeze %dma_wait3A : memref<1x1x4096xf32, #tpu.memory_space<hbm>> -> memref<4096xf32, #tpu.memory_space<hbm>>
      %dma_wait3A_36 = tpu.memref_slice %arg2[%add3A, %run_scoped3A_8, %mul3A_4] : memref<16x3x8192xf32, #tpu.memory_space<hbm>> -> memref<1x1x4096xf32, #tpu.memory_space<hbm>>
      %dma_wait3A_37 = tpu.memref_squeeze %dma_wait3A_36 : memref<1x1x4096xf32, #tpu.memory_space<hbm>> -> memref<4096xf32, #tpu.memory_space<hbm>>
      tpu.wait_dma2 semaphore(%run_scoped3A_31 : memref<!tpu.dma_semaphore, #tpu.memory_space<semaphore_mem>>) src(%dma_wait3A_37 : memref<4096xf32, #tpu.memory_space<hbm>>) dst(%arg9 : memref<4096xf32, #tpu.memory_space<vmem>>)
      tpu.yield
    }) : () -> ()
    %run_scoped3A_9 = arith.constant 2 : i32
    "tpu.region"() ({
      %run_scoped3A_31 = tpu.sem_alloc : memref<!tpu.dma_semaphore, #tpu.memory_space<semaphore_mem>>
      %dma_start3A = tpu.memref_slice %arg2[%add3A, %run_scoped3A_9, %mul3A_4] : memref<16x3x8192xf32, #tpu.memory_space<hbm>> -> memref<1x1x4096xf32, #tpu.memory_space<hbm>>
      %dma_start3A_32 = tpu.memref_squeeze %dma_start3A : memref<1x1x4096xf32, #tpu.memory_space<hbm>> -> memref<4096xf32, #tpu.memory_space<hbm>>
      %dma_start3A_33 = tpu.memref_slice %arg2[%add3A, %run_scoped3A_9, %mul3A_4] : memref<16x3x8192xf32, #tpu.memory_space<hbm>> -> memref<1x1x4096xf32, #tpu.memory_space<hbm>>
      %dma_start3A_34 = tpu.memref_squeeze %dma_start3A_33 : memref<1x1x4096xf32, #tpu.memory_space<hbm>> -> memref<4096xf32, #tpu.memory_space<hbm>>
      tpu.enqueue_dma source(%dma_start3A_34 : memref<4096xf32, #tpu.memory_space<hbm>>) target(%arg10 : memref<4096xf32, #tpu.memory_space<vmem>>) target_semaphore(%run_scoped3A_31 : memref<!tpu.dma_semaphore, #tpu.memory_space<semaphore_mem>>)
      %dma_wait3A = tpu.memref_slice %arg2[%add3A, %run_scoped3A_9, %mul3A_4] : memref<16x3x8192xf32, #tpu.memory_space<hbm>> -> memref<1x1x4096xf32, #tpu.memory_space<hbm>>
      %dma_wait3A_35 = tpu.memref_squeeze %dma_wait3A : memref<1x1x4096xf32, #tpu.memory_space<hbm>> -> memref<4096xf32, #tpu.memory_space<hbm>>
      %dma_wait3A_36 = tpu.memref_slice %arg2[%add3A, %run_scoped3A_9, %mul3A_4] : memref<16x3x8192xf32, #tpu.memory_space<hbm>> -> memref<1x1x4096xf32, #tpu.memory_space<hbm>>
      %dma_wait3A_37 = tpu.memref_squeeze %dma_wait3A_36 : memref<1x1x4096xf32, #tpu.memory_space<hbm>> -> memref<4096xf32, #tpu.memory_space<hbm>>
      tpu.wait_dma2 semaphore(%run_scoped3A_31 : memref<!tpu.dma_semaphore, #tpu.memory_space<semaphore_mem>>) src(%dma_wait3A_37 : memref<4096xf32, #tpu.memory_space<hbm>>) dst(%arg10 : memref<4096xf32, #tpu.memory_space<vmem>>)
      tpu.yield
    }) : () -> ()
    "tpu.region"() ({
      %run_scoped3A_31 = tpu.sem_alloc : memref<!tpu.dma_semaphore, #tpu.memory_space<semaphore_mem>>
      tpu.enqueue_dma source(%arg3 : memref<16xi32, #tpu.memory_space<hbm>>) target(%arg13 : memref<16xi32, #tpu.memory_space<vmem>>) target_semaphore(%run_scoped3A_31 : memref<!tpu.dma_semaphore, #tpu.memory_space<semaphore_mem>>)
      tpu.wait_dma2 semaphore(%run_scoped3A_31 : memref<!tpu.dma_semaphore, #tpu.memory_space<semaphore_mem>>) src(%arg3 : memref<16xi32, #tpu.memory_space<hbm>>) dst(%arg13 : memref<16xi32, #tpu.memory_space<vmem>>)
      tpu.yield
    }) : () -> ()
    %iota3A = tpu.iota {dimensions = array<i32: 0>} : vector<16xi32>
    %eq3A = arith.constant 0 : i32
    %eq3A_10 = vector.broadcast %eq3A : i32 to vector<16xi32>
    %eq3A_11 = arith.cmpi eq, %iota3A, %eq3A_10 : vector<16xi32>
    %broadcast_in_dim3A = arith.constant 0 : i32
    %broadcast_in_dim3A_12 = vector.broadcast %broadcast_in_dim3A : i32 to vector<16xi32>
    %broadcast_in_dim3A_13 = arith.constant 1 : i32
    %broadcast_in_dim3A_14 = vector.broadcast %broadcast_in_dim3A_13 : i32 to vector<16xi32>
    %get3A = arith.constant 0 : index
    %get3A_15 = tpu.vector_load %arg13[%get3A] {strides = array<i32>} : memref<16xi32, #tpu.memory_space<vmem>>, vector<16xi32>,
    tpu.vector_store_idx %arg12[%broadcast_in_dim3A_12], %get3A_15 masked %eq3A_11 : memref<2048xi32, #tpu.memory_space<vmem>>[vector<16xi32>], vector<16xi32>, vector<16xi1>
    %scan3A = arith.constant 0 : i32
    %scan3A_16 = arith.constant 0 : i32
    %scan3A_17 = arith.constant 256 : i32
    %scan3A_18 = arith.addi %scan3A_16, %scan3A_17 : i32
    %scan3A_19 = arith.constant 1 : i32
    scf.for %scan3A_31 = %scan3A_16 to %scan3A_18 step %scan3A_19  : i32 {
      %broadcast_in_dim3A_32 = arith.constant 0x7F800000 : f32
      %broadcast_in_dim3A_33 = vector.broadcast %broadcast_in_dim3A_32 : f32 to vector<16xf32>
      %mul3A_34 = arith.constant 16 : i32
      %mul3A_35 = arith.muli %scan3A_31, %mul3A_34 : i32
      %swap3A = arith.index_cast %mul3A_35 : i32 to index
      %swap3A_36 = tpu.vector_load %arg11[%swap3A] {strides = array<i32>} : memref<4096xf32, #tpu.memory_space<vmem>>, vector<16xf32>,
      tpu.vector_store %arg11[%swap3A], %broadcast_in_dim3A_33 {strides = array<i32>} : memref<4096xf32, #tpu.memory_space<vmem>>, vector<16xf32>,
    }
    %scan3A_20 = arith.constant 256 : i32
    %scan3A_21 = arith.constant 0 : i32
    %scan3A_22 = arith.constant 0 : i32
    %scan3A_23 = arith.constant 2047 : i32
    %scan3A_24 = arith.addi %scan3A_22, %scan3A_23 : i32
    %scan3A_25 = arith.constant 1 : i32
    %scan3A_26 = scf.for %scan3A_31 = %scan3A_22 to %scan3A_24 step %scan3A_25 iter_args(%scan3A_32 = %scan3A_21) -> (i32)  : i32 {
      %broadcast_in_dim3A_33 = vector.broadcast %scan3A_31 : i32 to vector<16xi32>
      %gather3A = tpu.vector_load_idx %arg12[%broadcast_in_dim3A_33] : memref<2048xi32, #tpu.memory_space<vmem>>[vector<16xi32>], vector<16xi32>,
      %gather3A_34 = tpu.vector_load_idx %arg5[%gather3A] : memref<8192xf32, #tpu.memory_space<vmem>>[vector<16xi32>], vector<16xf32>,
      %gather3A_35 = tpu.vector_load_idx %arg6[%gather3A] : memref<8192xf32, #tpu.memory_space<vmem>>[vector<16xi32>], vector<16xf32>,
      %gather3A_36 = tpu.vector_load_idx %arg7[%gather3A] : memref<8192xf32, #tpu.memory_space<vmem>>[vector<16xi32>], vector<16xf32>,
      %broadcast_in_dim3A_37 = arith.constant 0xFF800000 : f32
      %broadcast_in_dim3A_38 = vector.broadcast %broadcast_in_dim3A_37 : f32 to vector<16xf32>
      %broadcast_in_dim3A_39 = arith.constant 2147483647 : i32
      %broadcast_in_dim3A_40 = vector.broadcast %broadcast_in_dim3A_39 : i32 to vector<16xi32>
      %add3A_41 = vector.broadcast %mul3A_4 : i32 to vector<16xi32>
      %add3A_42 = arith.addi %add3A_41, %iota3A : vector<16xi32>
      %scan3A_43 = arith.constant 0 : i32
      %scan3A_44 = arith.constant 64 : i32
      %scan3A_45 = arith.addi %scan3A_43, %scan3A_44 : i32
      %scan3A_46 = arith.constant 1 : i32
      %scan3A_47:3 = scf.for %scan3A_79 = %scan3A_43 to %scan3A_45 step %scan3A_46 iter_args(%scan3A_80 = %broadcast_in_dim3A_38, %scan3A_81 = %broadcast_in_dim3A_40, %scan3A_82 = %add3A_42) -> (vector<16xf32>, vector<16xi32>, vector<16xi32>)  : i32 {
        %mul3A_83 = arith.constant 4 : i32
        %mul3A_84 = arith.muli %scan3A_79, %mul3A_83 : i32
        %mul3A_85 = arith.constant 16 : i32
        %mul3A_86 = arith.muli %mul3A_84, %mul3A_85 : i32
        %add3A_87 = arith.constant 0 : i32
        %add3A_88 = arith.addi %mul3A_86, %add3A_87 : i32
        %mul3A_89 = arith.constant 4 : i32
        %mul3A_90 = arith.muli %scan3A_79, %mul3A_89 : i32
        %mul3A_91 = arith.constant 16 : i32
        %mul3A_92 = arith.muli %mul3A_90, %mul3A_91 : i32
        %add3A_93 = arith.constant 16 : i32
        %add3A_94 = arith.addi %mul3A_92, %add3A_93 : i32
        %mul3A_95 = arith.constant 4 : i32
        %mul3A_96 = arith.muli %scan3A_79, %mul3A_95 : i32
        %mul3A_97 = arith.constant 16 : i32
        %mul3A_98 = arith.muli %mul3A_96, %mul3A_97 : i32
        %add3A_99 = arith.constant 32 : i32
        %add3A_100 = arith.addi %mul3A_98, %add3A_99 : i32
        %mul3A_101 = arith.constant 4 : i32
        %mul3A_102 = arith.muli %scan3A_79, %mul3A_101 : i32
        %mul3A_103 = arith.constant 16 : i32
        %mul3A_104 = arith.muli %mul3A_102, %mul3A_103 : i32
        %add3A_105 = arith.constant 48 : i32
        %add3A_106 = arith.addi %mul3A_104, %add3A_105 : i32
        %get3A_107 = arith.index_cast %add3A_88 : i32 to index
        %get3A_108 = tpu.vector_load %arg8[%get3A_107] {strides = array<i32>} : memref<4096xf32, #tpu.memory_space<vmem>>, vector<16xf32>,
        %sub3A = arith.subf %get3A_108, %gather3A_34 : vector<16xf32>
        %get3A_109 = arith.index_cast %add3A_88 : i32 to index
        %get3A_110 = tpu.vector_load %arg9[%get3A_109] {strides = array<i32>} : memref<4096xf32, #tpu.memory_space<vmem>>, vector<16xf32>,
        %sub3A_111 = arith.subf %get3A_110, %gather3A_35 : vector<16xf32>
        %get3A_112 = arith.index_cast %add3A_88 : i32 to index
        %get3A_113 = tpu.vector_load %arg10[%get3A_112] {strides = array<i32>} : memref<4096xf32, #tpu.memory_space<vmem>>, vector<16xf32>,
        %sub3A_114 = arith.subf %get3A_113, %gather3A_36 : vector<16xf32>
        %mul3A_115 = arith.mulf %sub3A, %sub3A : vector<16xf32>
        %mul3A_116 = arith.mulf %sub3A_111, %sub3A_111 : vector<16xf32>
        %add3A_117 = arith.addf %mul3A_115, %mul3A_116 : vector<16xf32>
        %mul3A_118 = arith.mulf %sub3A_114, %sub3A_114 : vector<16xf32>
        %add3A_119 = arith.addf %add3A_117, %mul3A_118 : vector<16xf32>
        %get3A_120 = arith.index_cast %add3A_88 : i32 to index
        %get3A_121 = tpu.vector_load %arg11[%get3A_120] {strides = array<i32>} : memref<4096xf32, #tpu.memory_space<vmem>>, vector<16xf32>,
        %min3A = arith.minimumf %get3A_121, %add3A_119 : vector<16xf32>
        %get3A_122 = arith.index_cast %add3A_94 : i32 to index
        %get3A_123 = tpu.vector_load %arg8[%get3A_122] {strides = array<i32>} : memref<4096xf32, #tpu.memory_space<vmem>>, vector<16xf32>,
        %sub3A_124 = arith.subf %get3A_123, %gather3A_34 : vector<16xf32>
        %get3A_125 = arith.index_cast %add3A_94 : i32 to index
        %get3A_126 = tpu.vector_load %arg9[%get3A_125] {strides = array<i32>} : memref<4096xf32, #tpu.memory_space<vmem>>, vector<16xf32>,
        %sub3A_127 = arith.subf %get3A_126, %gather3A_35 : vector<16xf32>
        %get3A_128 = arith.index_cast %add3A_94 : i32 to index
        %get3A_129 = tpu.vector_load %arg10[%get3A_128] {strides = array<i32>} : memref<4096xf32, #tpu.memory_space<vmem>>, vector<16xf32>,
        %sub3A_130 = arith.subf %get3A_129, %gather3A_36 : vector<16xf32>
        %mul3A_131 = arith.mulf %sub3A_124, %sub3A_124 : vector<16xf32>
        %mul3A_132 = arith.mulf %sub3A_127, %sub3A_127 : vector<16xf32>
        %add3A_133 = arith.addf %mul3A_131, %mul3A_132 : vector<16xf32>
        %mul3A_134 = arith.mulf %sub3A_130, %sub3A_130 : vector<16xf32>
        %add3A_135 = arith.addf %add3A_133, %mul3A_134 : vector<16xf32>
        %get3A_136 = arith.index_cast %add3A_94 : i32 to index
        %get3A_137 = tpu.vector_load %arg11[%get3A_136] {strides = array<i32>} : memref<4096xf32, #tpu.memory_space<vmem>>, vector<16xf32>,
        %min3A_138 = arith.minimumf %get3A_137, %add3A_135 : vector<16xf32>
        %get3A_139 = arith.index_cast %add3A_100 : i32 to index
        %get3A_140 = tpu.vector_load %arg8[%get3A_139] {strides = array<i32>} : memref<4096xf32, #tpu.memory_space<vmem>>, vector<16xf32>,
        %sub3A_141 = arith.subf %get3A_140, %gather3A_34 : vector<16xf32>
        %get3A_142 = arith.index_cast %add3A_100 : i32 to index
        %get3A_143 = tpu.vector_load %arg9[%get3A_142] {strides = array<i32>} : memref<4096xf32, #tpu.memory_space<vmem>>, vector<16xf32>,
        %sub3A_144 = arith.subf %get3A_143, %gather3A_35 : vector<16xf32>
        %get3A_145 = arith.index_cast %add3A_100 : i32 to index
        %get3A_146 = tpu.vector_load %arg10[%get3A_145] {strides = array<i32>} : memref<4096xf32, #tpu.memory_space<vmem>>, vector<16xf32>,
        %sub3A_147 = arith.subf %get3A_146, %gather3A_36 : vector<16xf32>
        %mul3A_148 = arith.mulf %sub3A_141, %sub3A_141 : vector<16xf32>
        %mul3A_149 = arith.mulf %sub3A_144, %sub3A_144 : vector<16xf32>
        %add3A_150 = arith.addf %mul3A_148, %mul3A_149 : vector<16xf32>
        %mul3A_151 = arith.mulf %sub3A_147, %sub3A_147 : vector<16xf32>
        %add3A_152 = arith.addf %add3A_150, %mul3A_151 : vector<16xf32>
        %get3A_153 = arith.index_cast %add3A_100 : i32 to index
        %get3A_154 = tpu.vector_load %arg11[%get3A_153] {strides = array<i32>} : memref<4096xf32, #tpu.memory_space<vmem>>, vector<16xf32>,
        %min3A_155 = arith.minimumf %get3A_154, %add3A_152 : vector<16xf32>
        %get3A_156 = arith.index_cast %add3A_106 : i32 to index
        %get3A_157 = tpu.vector_load %arg8[%get3A_156] {strides = array<i32>} : memref<4096xf32, #tpu.memory_space<vmem>>, vector<16xf32>,
        %sub3A_158 = arith.subf %get3A_157, %gather3A_34 : vector<16xf32>
        %get3A_159 = arith.index_cast %add3A_106 : i32 to index
        %get3A_160 = tpu.vector_load %arg9[%get3A_159] {strides = array<i32>} : memref<4096xf32, #tpu.memory_space<vmem>>, vector<16xf32>,
        %sub3A_161 = arith.subf %get3A_160, %gather3A_35 : vector<16xf32>
        %get3A_162 = arith.index_cast %add3A_106 : i32 to index
        %get3A_163 = tpu.vector_load %arg10[%get3A_162] {strides = array<i32>} : memref<4096xf32, #tpu.memory_space<vmem>>, vector<16xf32>,
        %sub3A_164 = arith.subf %get3A_163, %gather3A_36 : vector<16xf32>
        %mul3A_165 = arith.mulf %sub3A_158, %sub3A_158 : vector<16xf32>
        %mul3A_166 = arith.mulf %sub3A_161, %sub3A_161 : vector<16xf32>
        %add3A_167 = arith.addf %mul3A_165, %mul3A_166 : vector<16xf32>
        %mul3A_168 = arith.mulf %sub3A_164, %sub3A_164 : vector<16xf32>
        %add3A_169 = arith.addf %add3A_167, %mul3A_168 : vector<16xf32>
        %get3A_170 = arith.index_cast %add3A_106 : i32 to index
        %get3A_171 = tpu.vector_load %arg11[%get3A_170] {strides = array<i32>} : memref<4096xf32, #tpu.memory_space<vmem>>, vector<16xf32>,
        %min3A_172 = arith.minimumf %get3A_171, %add3A_169 : vector<16xf32>
        %swap3A_173 = arith.index_cast %add3A_88 : i32 to index
        %swap3A_174 = tpu.vector_load %arg11[%swap3A_173] {strides = array<i32>} : memref<4096xf32, #tpu.memory_space<vmem>>, vector<16xf32>,
        tpu.vector_store %arg11[%swap3A_173], %min3A {strides = array<i32>} : memref<4096xf32, #tpu.memory_space<vmem>>, vector<16xf32>,
        %gt3A_175 = arith.cmpf ogt, %min3A, %scan3A_80 : vector<16xf32>
        %select_n3A_176 = arith.select %gt3A_175, %min3A, %scan3A_80 : vector<16xi1>, vector<16xf32>
        %add3A_177 = arith.constant 0 : i32
        %add3A_178 = vector.broadcast %add3A_177 : i32 to vector<16xi32>
        %add3A_179 = arith.addi %scan3A_82, %add3A_178 : vector<16xi32>
        %select_n3A_180 = arith.select %gt3A_175, %add3A_179, %scan3A_81 : vector<16xi1>, vector<16xi32>
        %swap3A_181 = arith.index_cast %add3A_94 : i32 to index
        %swap3A_182 = tpu.vector_load %arg11[%swap3A_181] {strides = array<i32>} : memref<4096xf32, #tpu.memory_space<vmem>>, vector<16xf32>,
        tpu.vector_store %arg11[%swap3A_181], %min3A_138 {strides = array<i32>} : memref<4096xf32, #tpu.memory_space<vmem>>, vector<16xf32>,
        %gt3A_183 = arith.cmpf ogt, %min3A_138, %select_n3A_176 : vector<16xf32>
        %select_n3A_184 = arith.select %gt3A_183, %min3A_138, %select_n3A_176 : vector<16xi1>, vector<16xf32>
        %add3A_185 = arith.constant 16 : i32
        %add3A_186 = vector.broadcast %add3A_185 : i32 to vector<16xi32>
        %add3A_187 = arith.addi %scan3A_82, %add3A_186 : vector<16xi32>
        %select_n3A_188 = arith.select %gt3A_183, %add3A_187, %select_n3A_180 : vector<16xi1>, vector<16xi32>
        %swap3A_189 = arith.index_cast %add3A_100 : i32 to index
        %swap3A_190 = tpu.vector_load %arg11[%swap3A_189] {strides = array<i32>} : memref<4096xf32, #tpu.memory_space<vmem>>, vector<16xf32>,
        tpu.vector_store %arg11[%swap3A_189], %min3A_155 {strides = array<i32>} : memref<4096xf32, #tpu.memory_space<vmem>>, vector<16xf32>,
        %gt3A_191 = arith.cmpf ogt, %min3A_155, %select_n3A_184 : vector<16xf32>
        %select_n3A_192 = arith.select %gt3A_191, %min3A_155, %select_n3A_184 : vector<16xi1>, vector<16xf32>
        %add3A_193 = arith.constant 32 : i32
        %add3A_194 = vector.broadcast %add3A_193 : i32 to vector<16xi32>
        %add3A_195 = arith.addi %scan3A_82, %add3A_194 : vector<16xi32>
        %select_n3A_196 = arith.select %gt3A_191, %add3A_195, %select_n3A_188 : vector<16xi1>, vector<16xi32>
        %swap3A_197 = arith.index_cast %add3A_106 : i32 to index
        %swap3A_198 = tpu.vector_load %arg11[%swap3A_197] {strides = array<i32>} : memref<4096xf32, #tpu.memory_space<vmem>>, vector<16xf32>,
        tpu.vector_store %arg11[%swap3A_197], %min3A_172 {strides = array<i32>} : memref<4096xf32, #tpu.memory_space<vmem>>, vector<16xf32>,
        %gt3A_199 = arith.cmpf ogt, %min3A_172, %select_n3A_192 : vector<16xf32>
        %select_n3A_200 = arith.select %gt3A_199, %min3A_172, %select_n3A_192 : vector<16xi1>, vector<16xf32>
        %add3A_201 = arith.constant 48 : i32
        %add3A_202 = vector.broadcast %add3A_201 : i32 to vector<16xi32>
        %add3A_203 = arith.addi %scan3A_82, %add3A_202 : vector<16xi32>
        %select_n3A_204 = arith.select %gt3A_199, %add3A_203, %select_n3A_196 : vector<16xi1>, vector<16xi32>
        %add3A_205 = arith.constant 64 : i32
        %add3A_206 = vector.broadcast %add3A_205 : i32 to vector<16xi32>
        %add3A_207 = arith.addi %scan3A_82, %add3A_206 : vector<16xi32>
        scf.yield %select_n3A_200, %select_n3A_204, %add3A_207 : vector<16xf32>, vector<16xi32>, vector<16xi32>
      }
      %scan3A_48 = arith.constant 64 : i32
      %reduce_max3A = arith.constant true
      %reduce_max3A_49 = vector.broadcast %reduce_max3A : i1 to vector<16xi1>
      %reduce_max3A_50 = tpu.scan <max>, %scan3A_47#0 masked %reduce_max3A_49 : vector<16xf32>, vector<16xi1> -> vector<16xf32>
      %reduce_max3A_51 = vector.extract %reduce_max3A_50[15] : f32 from vector<16xf32>
      %eq3A_52 = vector.broadcast %reduce_max3A_51 : f32 to vector<16xf32>
      %eq3A_53 = arith.cmpf oeq, %scan3A_47#0, %eq3A_52 : vector<16xf32>
      %jit3A = arith.constant 2147483647 : i32
      %broadcast_in_dim3A_54 = vector.broadcast %jit3A : i32 to vector<16xi32>
      %select_n3A = arith.select %eq3A_53, %scan3A_47#1, %broadcast_in_dim3A_54 : vector<16xi1>, vector<16xi32>
      %reduce_min3A = arith.constant true
      %reduce_min3A_55 = vector.broadcast %reduce_min3A : i1 to vector<16xi1>
      %reduce_min3A_56 = arith.constant -2147483648 : i32
      %reduce_min3A_57 = vector.broadcast %reduce_min3A_56 : i32 to vector<16xi32>
      %reduce_min3A_58 = arith.xori %select_n3A, %reduce_min3A_57 : vector<16xi32>
      %reduce_min3A_59 = tpu.scan <min>, %reduce_min3A_58 masked %reduce_min3A_55 : vector<16xi32>, vector<16xi1> -> vector<16xi32>
      %reduce_min3A_60 = arith.xori %reduce_min3A_59, %reduce_min3A_57 : vector<16xi32>
      %reduce_min3A_61 = vector.extract %reduce_min3A_60[15] : i32 from vector<16xi32>
      %broadcast_in_dim3A_62 = vector.broadcast %reduce_max3A_51 : f32 to vector<16xf32>
      %broadcast_in_dim3A_63 = vector.broadcast %reduce_min3A_61 : i32 to vector<16xi32>
      %and3A_64 = arith.constant 1 : i32
      %and3A_65 = arith.andi %scan3A_31, %and3A_64 : i32
      %bitcast3A = vector.bitcast %broadcast_in_dim3A_63 : vector<16xi32> to vector<16xf32>
      %select_n3A_66 = arith.select %eq3A_11, %broadcast_in_dim3A_62, %bitcast3A : vector<16xi1>, vector<16xf32>
      %swap3A = arith.constant 0 : index
      %swap3A_67 = tpu.vector_load %arg14[%swap3A] {strides = array<i32>} : memref<16xf32, #tpu.memory_space<vmem>>, vector<16xf32>,
      tpu.vector_store %arg14[%swap3A], %select_n3A_66 {strides = array<i32>} : memref<16xf32, #tpu.memory_space<vmem>>, vector<16xf32>,
      "tpu.region"() ({
        %run_scoped3A_79 = tpu.sem_alloc : memref<!tpu.dma_semaphore, #tpu.memory_space<semaphore_mem>>
        %dma_start3A = arith.constant 0 : i32
        %dma_start3A_80 = tpu.memref_slice %arg16[%arg1, %and3A_65, %dma_start3A] : memref<16x2x16xf32, #tpu.memory_space<vmem_shared>> -> memref<1x1x16xf32, #tpu.memory_space<vmem_shared>>
        %dma_start3A_81 = tpu.memref_squeeze %dma_start3A_80 : memref<1x1x16xf32, #tpu.memory_space<vmem_shared>> -> memref<16xf32, #tpu.memory_space<vmem_shared>>
        %dma_start3A_82 = arith.constant 0 : i32
        %dma_start3A_83 = tpu.memref_slice %arg16[%arg1, %and3A_65, %dma_start3A_82] : memref<16x2x16xf32, #tpu.memory_space<vmem_shared>> -> memref<1x1x16xf32, #tpu.memory_space<vmem_shared>>
        %dma_start3A_84 = tpu.memref_squeeze %dma_start3A_83 : memref<1x1x16xf32, #tpu.memory_space<vmem_shared>> -> memref<16xf32, #tpu.memory_space<vmem_shared>>
        tpu.enqueue_dma source(%arg14 : memref<16xf32, #tpu.memory_space<vmem>>) target(%dma_start3A_84 : memref<16xf32, #tpu.memory_space<vmem_shared>>) target_semaphore(%run_scoped3A_79 : memref<!tpu.dma_semaphore, #tpu.memory_space<semaphore_mem>>)
        %dma_wait3A = arith.constant 0 : i32
        %dma_wait3A_85 = tpu.memref_slice %arg16[%arg1, %and3A_65, %dma_wait3A] : memref<16x2x16xf32, #tpu.memory_space<vmem_shared>> -> memref<1x1x16xf32, #tpu.memory_space<vmem_shared>>
        %dma_wait3A_86 = tpu.memref_squeeze %dma_wait3A_85 : memref<1x1x16xf32, #tpu.memory_space<vmem_shared>> -> memref<16xf32, #tpu.memory_space<vmem_shared>>
        %dma_wait3A_87 = arith.constant 0 : i32
        %dma_wait3A_88 = tpu.memref_slice %arg16[%arg1, %and3A_65, %dma_wait3A_87] : memref<16x2x16xf32, #tpu.memory_space<vmem_shared>> -> memref<1x1x16xf32, #tpu.memory_space<vmem_shared>>
        %dma_wait3A_89 = tpu.memref_squeeze %dma_wait3A_88 : memref<1x1x16xf32, #tpu.memory_space<vmem_shared>> -> memref<16xf32, #tpu.memory_space<vmem_shared>>
        tpu.wait_dma2 semaphore(%run_scoped3A_79 : memref<!tpu.dma_semaphore, #tpu.memory_space<semaphore_mem>>) src(%arg14 : memref<16xf32, #tpu.memory_space<vmem>>) dst(%dma_wait3A_89 : memref<16xf32, #tpu.memory_space<vmem_shared>>)
        tpu.yield
      }) : () -> ()
      %barrier3A = arith.constant 0 : index
      tpu.barrier barrier_id(%barrier3A)
      %xor3A = arith.constant 1 : i32
      %xor3A_68 = arith.xori %arg1, %xor3A : i32
      "tpu.region"() ({
        %run_scoped3A_79 = tpu.sem_alloc : memref<!tpu.dma_semaphore, #tpu.memory_space<semaphore_mem>>
        %dma_start3A = arith.constant 0 : i32
        %dma_start3A_80 = tpu.memref_slice %arg16[%xor3A_68, %and3A_65, %dma_start3A] : memref<16x2x16xf32, #tpu.memory_space<vmem_shared>> -> memref<1x1x16xf32, #tpu.memory_space<vmem_shared>>
        %dma_start3A_81 = tpu.memref_squeeze %dma_start3A_80 : memref<1x1x16xf32, #tpu.memory_space<vmem_shared>> -> memref<16xf32, #tpu.memory_space<vmem_shared>>
        %dma_start3A_82 = arith.constant 0 : i32
        %dma_start3A_83 = tpu.memref_slice %arg16[%xor3A_68, %and3A_65, %dma_start3A_82] : memref<16x2x16xf32, #tpu.memory_space<vmem_shared>> -> memref<1x1x16xf32, #tpu.memory_space<vmem_shared>>
        %dma_start3A_84 = tpu.memref_squeeze %dma_start3A_83 : memref<1x1x16xf32, #tpu.memory_space<vmem_shared>> -> memref<16xf32, #tpu.memory_space<vmem_shared>>
        tpu.enqueue_dma source(%dma_start3A_84 : memref<16xf32, #tpu.memory_space<vmem_shared>>) target(%arg15 : memref<16xf32, #tpu.memory_space<vmem>>) target_semaphore(%run_scoped3A_79 : memref<!tpu.dma_semaphore, #tpu.memory_space<semaphore_mem>>)
        %dma_wait3A = arith.constant 0 : i32
        %dma_wait3A_85 = tpu.memref_slice %arg16[%xor3A_68, %and3A_65, %dma_wait3A] : memref<16x2x16xf32, #tpu.memory_space<vmem_shared>> -> memref<1x1x16xf32, #tpu.memory_space<vmem_shared>>
        %dma_wait3A_86 = tpu.memref_squeeze %dma_wait3A_85 : memref<1x1x16xf32, #tpu.memory_space<vmem_shared>> -> memref<16xf32, #tpu.memory_space<vmem_shared>>
        %dma_wait3A_87 = arith.constant 0 : i32
        %dma_wait3A_88 = tpu.memref_slice %arg16[%xor3A_68, %and3A_65, %dma_wait3A_87] : memref<16x2x16xf32, #tpu.memory_space<vmem_shared>> -> memref<1x1x16xf32, #tpu.memory_space<vmem_shared>>
        %dma_wait3A_89 = tpu.memref_squeeze %dma_wait3A_88 : memref<1x1x16xf32, #tpu.memory_space<vmem_shared>> -> memref<16xf32, #tpu.memory_space<vmem_shared>>
        tpu.wait_dma2 semaphore(%run_scoped3A_79 : memref<!tpu.dma_semaphore, #tpu.memory_space<semaphore_mem>>) src(%dma_wait3A_89 : memref<16xf32, #tpu.memory_space<vmem_shared>>) dst(%arg15 : memref<16xf32, #tpu.memory_space<vmem>>)
        tpu.yield
      }) : () -> ()
      %gather3A_69 = tpu.vector_load_idx %arg15[%broadcast_in_dim3A_12] : memref<16xf32, #tpu.memory_space<vmem>>[vector<16xi32>], vector<16xf32>,
      %gather3A_70 = tpu.vector_load_idx %arg15[%broadcast_in_dim3A_14] : memref<16xf32, #tpu.memory_space<vmem>>[vector<16xi32>], vector<16xf32>,
      %bitcast3A_71 = vector.bitcast %gather3A_70 : vector<16xf32> to vector<16xi32>
      %gt3A = arith.cmpf ogt, %gather3A_69, %broadcast_in_dim3A_62 : vector<16xf32>
      %eq3A_72 = arith.cmpf oeq, %gather3A_69, %broadcast_in_dim3A_62 : vector<16xf32>
      %lt3A = arith.cmpi slt, %bitcast3A_71, %broadcast_in_dim3A_63 : vector<16xi32>
      %and3A_73 = arith.andi %eq3A_72, %lt3A : vector<16xi1>
      %or3A = arith.ori %gt3A, %and3A_73 : vector<16xi1>
      %select_n3A_74 = arith.select %or3A, %bitcast3A_71, %broadcast_in_dim3A_63 : vector<16xi1>, vector<16xi32>
      %add3A_75 = arith.constant 1 : i32
      %add3A_76 = arith.addi %scan3A_31, %add3A_75 : i32
      %broadcast_in_dim3A_77 = vector.broadcast %add3A_76 : i32 to vector<16xi32>
      tpu.vector_store_idx %arg12[%broadcast_in_dim3A_77], %select_n3A_74 masked %eq3A_11 : memref<2048xi32, #tpu.memory_space<vmem>>[vector<16xi32>], vector<16xi32>, vector<16xi1>
      %scan3A_78 = arith.constant 0 : i32
      scf.yield %scan3A_78 : i32
    }
    %scan3A_27 = arith.constant 2047 : i32
    %eq3A_28 = arith.constant 0 : i32
    %eq3A_29 = arith.cmpi eq, %and3A_2, %eq3A_28 : i32
    %convert_element_type3A = arith.extui %eq3A_29 : i1 to i32
    %cond3A = arith.constant 0 : i32
    %cond3A_30 = arith.cmpi ne, %convert_element_type3A, %cond3A : i32
    scf.if %cond3A_30 {
      "tpu.region"() ({
        %run_scoped3A_31 = tpu.sem_alloc : memref<!tpu.dma_semaphore, #tpu.memory_space<semaphore_mem>>
        %dma_start3A = arith.constant 0 : i32
        %dma_start3A_32 = tpu.memref_slice %arg4[%add3A, %dma_start3A] : memref<16x2048xi32, #tpu.memory_space<hbm>> -> memref<1x2048xi32, #tpu.memory_space<hbm>>
        %dma_start3A_33 = tpu.memref_squeeze %dma_start3A_32 : memref<1x2048xi32, #tpu.memory_space<hbm>> -> memref<2048xi32, #tpu.memory_space<hbm>>
        %dma_start3A_34 = arith.constant 0 : i32
        %dma_start3A_35 = tpu.memref_slice %arg4[%add3A, %dma_start3A_34] : memref<16x2048xi32, #tpu.memory_space<hbm>> -> memref<1x2048xi32, #tpu.memory_space<hbm>>
        %dma_start3A_36 = tpu.memref_squeeze %dma_start3A_35 : memref<1x2048xi32, #tpu.memory_space<hbm>> -> memref<2048xi32, #tpu.memory_space<hbm>>
        tpu.enqueue_dma source(%arg12 : memref<2048xi32, #tpu.memory_space<vmem>>) target(%dma_start3A_36 : memref<2048xi32, #tpu.memory_space<hbm>>) target_semaphore(%run_scoped3A_31 : memref<!tpu.dma_semaphore, #tpu.memory_space<semaphore_mem>>)
        %dma_wait3A = arith.constant 0 : i32
        %dma_wait3A_37 = tpu.memref_slice %arg4[%add3A, %dma_wait3A] : memref<16x2048xi32, #tpu.memory_space<hbm>> -> memref<1x2048xi32, #tpu.memory_space<hbm>>
        %dma_wait3A_38 = tpu.memref_squeeze %dma_wait3A_37 : memref<1x2048xi32, #tpu.memory_space<hbm>> -> memref<2048xi32, #tpu.memory_space<hbm>>
        %dma_wait3A_39 = arith.constant 0 : i32
        %dma_wait3A_40 = tpu.memref_slice %arg4[%add3A, %dma_wait3A_39] : memref<16x2048xi32, #tpu.memory_space<hbm>> -> memref<1x2048xi32, #tpu.memory_space<hbm>>
        %dma_wait3A_41 = tpu.memref_squeeze %dma_wait3A_40 : memref<1x2048xi32, #tpu.memory_space<hbm>> -> memref<2048xi32, #tpu.memory_space<hbm>>
        tpu.wait_dma2 semaphore(%run_scoped3A_31 : memref<!tpu.dma_semaphore, #tpu.memory_space<semaphore_mem>>) src(%arg12 : memref<2048xi32, #tpu.memory_space<vmem>>) dst(%dma_wait3A_41 : memref<2048xi32, #tpu.memory_space<hbm>>)
        tpu.yield
      }) : () -> ()
    } else {
    }
    return
  }
}

</mosaic_0001>

<sc_bundles>
// kernel: _fps_call.3.cloned.1.call-start
scs
__scs_entry_jumppad:
0x0: {  	(pc) =	sbr.rel $0x88, $3  }
0x1: {  	(tag) =	ssettag $0x0;
	lr =	simm.s32 $0x1  }
0x2: {  	[smem:$0x3F9F] =	sst lr;
	_ =	strace $0xD0000000  }
0x3: {  	_ = 	snop  }
0x4: {  	_ = 	snop  }
0x5: {  	_ = 	snop  }
0x6: {  	_ = 	snop  }
0x7: {  	_ = 	snop  }
__scs_overlays_trampoline_lowered:
0x8: {  	[smem:$0x3FAE] =	sst s0  }
0x9: {  	[smem:$0x3FAF] =	sst s1  }
0xa: {  	[smem:$0x3FB0] =	sst s2  }
0xb: {  	[smem:$0x3FB1] =	sst s3  }
0xc: {  	[smem:$0x3FB2] =	sst s4  }
0xd: {  	[smem:$0x3FB3] =	sst s5  }
0xe: {  	[smem:$0x3FB4] =	sst s6  }
0xf: {  	[smem:$0x3FB5] =	sst s7  }
0x10: {  	[smem:$0x3FB6] =	sst s8  }
0x11: {  	[smem:$0x3FB7] =	sst s9;
	s0 =	simm.s32 @!p0 $0x0  }
0x12: {  	s1 =	sld [smem:$0x3F9D];
	s0 =	simm.s32 @p0 $0x1  }
0x13: {  	[smem:$0x3FB8] =	sst s0;
	s0 =	simm.s32 @!p1 $0x0  }
0x14: {  	s2 =	sld [smem:$0x3F9C];
	s0 =	simm.s32 @p1 $0x1  }
0x15: {  	[smem:$0x3FB9] =	sst s0;
	s0 =	simm.s32 @!p2 $0x0  }
0x16: {  	s3 =	sld [smem:$0x3FDB];
	s0 =	simm.s32 @p2 $0x1  }
0x17: {  	s4 =	simm.s32 $0x1BF5;
	[smem:$0x3FBB] =	sst s0  }
0x18: {  	s0 =	sld [smem:$0x3F9E];
	_ =	swait.ge [sflag:s4], $0x0  }
0x19: {  	s7 =	sld [smem:$0x3F9F]  }
0x1a: {  	s8 =	sadd.s32 $0xFFFFE003, lr  }
0x1b: {  	s9 =	sadd.s32 $0xFFFFFEF7, lr;
	s5 =	simm.s32 $0xFFFFFFFF;
	p2 =	slt.u32 s8, $0xFFFFF086  }
0x1c: {  	p1 =	slt.u32 s9, $0xF7A;
	s5 =	simm.s32 @!p2 $0x0  }
0x1d: {  	s5 =	simm.s32 @p1 $0x1;
	p0 =	seq.s32 s7, s2  }
0x1e: {  	s7 =	smul.u32 @!p0 $0xF7A, s2;
	p2 =	seq.s32 @!p0 s5, $0x0  }
0x1f: {  	s9 =	smul.u32 $0xF7A, s1;
	s8 =	simm.s32 @!p0 $0x1BF5;
	p2 =	por !p2, p0  }
0x20: {  	[sflag:s8] =	ssyncset.s32 @!p0 $0xFFFFF086;
	s6 =	sadd.s32 @!p0 s3, s7;
	s7 =	simm.s32 @!p0 $0x108  }
0x21: {  	s3 =	sadd.s32 s3, s9;
	s6 =	sadd.s32 @!p0 $0x88, s6;
	s7 =	simm.s32 @p2 $0x1082  }
0x22: {  	[simem:s7], [sflag:s8] =	dma.local @!p0 [hbm:s6], $0xF7A  }
0x23: {  	s9 =	sor.u32 $0xD0000000, s2;
	s6 =	simm.s32 $0x108;
	_ =	swait.ge @!p0 [sflag:s8], $0x0  }
0x24: {  	s3 =	sadd.s32 $0x88, s3;
	s6 =	simm.s32 @!p1 $0x1082;
	[sflag:s4] =	ssyncset.s32 $0xFFFFF086  }
0x25: {  	[simem:s6], [sflag:s4] =	dma.local [hbm:s3], $0xF7A  }
0x26: {  	[smem:$0x3F9F] =	sst s1;
	(tag) =	ssettag s2;
	_ =	strace s9  }
0x27: {  	s1 =	sld [smem:$0x3FAF]  }
0x28: {  	s2 =	sld [smem:$0x3FB0]  }
0x29: {  	s4 =	sld [smem:$0x3FB2]  }
0x2a: {  	p0 =	seq.s32 s5, $0x0;
	s5 =	sld [smem:$0x3FB3]  }
0x2b: {  	s6 =	sld [smem:$0x3FB4]  }
0x2c: {  	s7 =	sld [smem:$0x3FB5]  }
0x2d: {  	s3 =	simm.s32 $0x108;
	s8 =	sld [smem:$0x3FB6]  }
0x2e: {  	s3 =	simm.s32 @!p0 $0x1082;
	s9 =	sld [smem:$0x3FB7]  }
0x2f: {  	lr =	sadd.s32 s0, s3;
	s0 =	sld [smem:$0x3FAE]  }
0x30: {  	s3 =	sld [smem:$0x3FB1]  }
0x31: {  	[smem:$0x3FBA] =	sst s10  }
0x32: {  	s10 =	sld [smem:$0x3FB8];
	_ =	sdelay $0x3  }
0x33: {  	p0 =	seq.s32 s10, $0x1;
	s10 =	sld [smem:$0x3FBA];
	_ =	sdelay $0x3  }
0x34: {  	[smem:$0x3FBA] =	sst s10  }
0x35: {  	s10 =	sld [smem:$0x3FB9];
	_ =	sdelay $0x3  }
0x36: {  	p1 =	seq.s32 s10, $0x1;
	s10 =	sld [smem:$0x3FBA];
	_ =	sdelay $0x3  }
0x37: {  	[smem:$0x3FBA] =	sst s10  }
0x38: {  	s10 =	sld [smem:$0x3FBB]  }
0x39: {  	_ = 	snop;
	(pc) =	sbr.ind lr, $3  }
0x3a: {  	_ = 	snop  }
0x3b: {  	_ = 	snop  }
0x3c: {  	p2 =	seq.s32 s10, $0x1;
	s10 =	sld [smem:$0x3FBA]  }
0x3d: {  	_ =	shalt  }
0x3e: {  	_ =	shalt  }
0x3f: {  	_ =	shalt  }
0x40: {  	_ =	shalt  }
0x41: {  	_ =	shalt  }
0x42: {  	_ =	shalt  }
0x43: {  	_ =	shalt  }
0x44: {  	_ =	shalt  }
0x45: {  	_ =	shalt  }
0x46: {  	_ =	shalt  }
0x47: {  	_ =	shalt  }
0x48: {  	_ =	shalt  }
0x49: {  	_ =	shalt  }
0x4a: {  	_ =	shalt  }
0x4b: {  	_ =	shalt  }
0x4c: {  	_ =	shalt  }
0x4d: {  	_ =	shalt  }
0x4e: {  	_ =	shalt  }
0x4f: {  	_ =	shalt  }
0x50: {  	_ =	shalt  }
0x51: {  	_ =	shalt  }
0x52: {  	_ =	shalt  }
0x53: {  	_ =	shalt  }
0x54: {  	_ =	shalt  }
0x55: {  	_ =	shalt  }
0x56: {  	_ =	shalt  }
0x57: {  	_ =	shalt  }
0x58: {  	_ =	shalt  }
0x59: {  	_ =	shalt  }
0x5a: {  	_ =	shalt  }
0x5b: {  	_ =	shalt  }
0x5c: {  	_ =	shalt  }
0x5d: {  	_ =	shalt  }
0x5e: {  	_ =	shalt  }
0x5f: {  	_ =	shalt  }
0x60: {  	_ =	shalt  }
0x61: {  	_ =	shalt  }
0x62: {  	_ =	shalt  }
0x63: {  	_ =	shalt  }
0x64: {  	_ =	shalt  }
0x65: {  	_ =	shalt  }
0x66: {  	_ =	shalt  }
0x67: {  	_ =	shalt  }
0x68: {  	_ =	shalt  }
0x69: {  	_ =	shalt  }
0x6a: {  	_ =	shalt  }
0x6b: {  	_ =	shalt  }
0x6c: {  	_ =	shalt  }
0x6d: {  	_ =	shalt  }
0x6e: {  	_ =	shalt  }
0x6f: {  	_ =	shalt  }
0x70: {  	_ =	shalt  }
0x71: {  	_ =	shalt  }
0x72: {  	_ =	shalt  }
0x73: {  	_ =	shalt  }
0x74: {  	_ =	shalt  }
0x75: {  	_ =	shalt  }
0x76: {  	_ =	shalt  }
0x77: {  	_ =	shalt  }
0x78: {  	_ =	shalt  }
0x79: {  	_ =	shalt  }
0x7a: {  	_ =	shalt  }
0x7b: {  	_ =	shalt  }
0x7c: {  	_ =	shalt  }
0x7d: {  	_ =	shalt  }
0x7e: {  	_ =	shalt  }
0x7f: {  	_ =	shalt  }
0x80: {  	_ =	shalt  }
0x81: {  	_ =	shalt  }
0x82: {  	_ =	shalt  }
0x83: {  	_ =	shalt  }
0x84: {  	_ =	shalt  }
0x85: {  	_ =	shalt  }
0x86: {  	_ =	shalt  }
0x87: {  	_ =	shalt  }
.Lfunc_end0:
.L_simem_size_0:
called_computation_lowered:
.L_overlay_start_0:
0x88: {  	s2 =	sld [smem:$0x3FD9]  }
0x89: {  	s3 =	sld [smem:$0x3FFE];
	_ =	sdelay $0x1  }
0x8a: {  	s1 =	srdreg.scid  }
0x8b: {  	s0 =	sand.u32 $0x1, s1  }
0x8c: {  	s17 =	sshll.u32 s0, $0xA;
	s2 =	sadd.s32 s3, s2  }
0x8d: {  	s2 =	sadd.s32 s2, s17  }
0x8e: {  	[smem:$0x3FC6] =	sst s2  }
0x8f: {  	_ = 	snop  }
0x90: {  	s2 =	sld [smem:$0x3FC8];
	(tm) =	ssettm $0x1  }
0x91: {  	s18 =	sld [smem:$0x3FFB];
	_ =	sdelay $0x3  }
0x92: {  	_ =	strace s18  }
0x93: {  	s3 =	sld [smem:$0x3FFC];
	_ =	sdelay $0x3  }
0x94: {  	_ =	strace s3  }
0x95: {  	s3 =	sld [smem:$0x3FFD];
	_ =	sdelay $0x3  }
0x96: {  	_ =	strace s3  }
0x97: {  	_ =	strace $0x8FFFFFFF  }
0x98: {  	s19 =	sld [smem:$0x3FDB];
	_ =	sdelay $0x1  }
0x99: {  	s4 =	simm.s32 $_scs_section_size  }
0x9a: {  	s5 =	simm.s32 $_size__tile_overlayer_lowered;
	s6 =	simm.s32 $_tile_overlayer_lowered  }
0x9b: {  	s22 =	simm.s32 $0x1BFF;
	s21 =	sshll.u32 s6, $0x1;
	s3 =	sadd.s32 s4, s19  }
0x9c: {  	s7 =	simm.s32 $0x0;
	s20 =	sshll.u32 s5, $0x1;
	s5 =	sadd.s32 s21, s3  }
0x9d: {  	[timem:s7], [sflag:s22] =	dma.local [hbm:s5], s20  }
0x9e: {  	_ =	swait.ge [sflag:s22], s20  }
0x9f: {  	s4 =	ssub.s32 $0x0, s20;
	[sflag:s22] =	ssyncset.done $0x0  }
0xa0: {  	[sflag:s22] =	ssyncadd.s32 s4;
	_ =	sdelay $0x1  }
0xa1: {  	s23 =	simm.s32 $0x1B8B  }
0xa2: {  	_ =	swait.ge [sflag:s23], $0x1  }
0xa3: {  	[sflag:s23] =	ssyncset.done $0x0  }
0xa4: {  	s25 =	simm.s32 $0x1B8E;
	s24 =	sld [smem:$0x3FFE];
	[sflag:s23] =	ssyncadd.s32 $0xFFFFFFFF  }
0xa5: {  	s26 =	simm.s32 $execute0_lowered;
	[smem:$0x3FD2] =	sst s25  }
0xa6: {  	s5 =	sshll.u32 s26, $0x1;
	_ =	strace $0x80000046;
	[dreg:$0x1] =	wrdreg $0xFFFFFFFF  }
0xa7: {  	s28 =	simm.s32 $_size_execute0_lowered;
	s3 =	sadd.s32 s3, s5;
	[dreg:$0x0] =	wrdreg $0x0  }
0xa8: {  	s5 =	sshll.u32 s28, $0x1;
	[dreg:$0x2] =	wrdreg s3  }
0xa9: {  	[dreg:$0x3] =	wrdreg s5  }
0xaa: {  	[dreg:$0x4] =	wrdreg $0xC0  }
0xab: {  	_ =	task [dreg:s7], $0x5FFFF  }
0xac: {  	[dreg:$0x1] =	wrdreg $0xFFFFFFFF  }
0xad: {  	[dreg:$0x0] =	wrdreg $0x60  }
0xae: {  	[dreg:$0x2] =	wrdreg s24  }
0xaf: {  	[dreg:$0x3] =	wrdreg s2  }
0xb0: {  	[dreg:$0x4] =	wrdreg $0xA8300  }
0xb1: {  	[dreg:$0x5] =	wrdreg $0x9  }
0xb2: {  	_ =	task.clear_ibuf [dreg:s7], $0x6FFFF;
	_ =	strace $0x90000046  }
0xb3: {  	s29 =	simm.s32 $0x9;
	_ =	strace $0x80000048  }
0xb4: {  	_ =	swait.ge [sflag:s29], $0x1  }
0xb5: {  	[sflag:s29] =	ssyncadd.s32 $0xFFFFFFFF  }
0xb6: {  	_ =	strace $0x90000048  }
0xb7: {  	_ =	sfence  }
0xb8: {  	s30 =	sld [smem:$0x0];
	_ =	sdelay $0x2  }
0xb9: {  	s31 =	sshll.u32 s1, $0xD;
	s1 =	sshrl.u32 s1, $0x2  }
0xba: {  	s3 =	sand.u32 $0x4000, s31;
	s1 =	sadd.s32 s1, s30  }
0xbb: {  	s0 =	sor.u32 s3, s0;
	s1 =	sshll.u32 s1, $0x11  }
0xbc: {  	s0 =	sor.u32 s1, s0  }
0xbd: {  	s0 =	sadd.s32 $0x8F2B, s0  }
0xbe: {  	[sflag:s0] =	ssyncadd.remote.s32 $0x1  }
0xbf: {  	_ =	sfence.sel $0xFFFF  }
0xc0: {  	[dreg:$0x0] =	wrdreg $0xFFFFFFFF;
	(pc) =	sbr.abs _section_cstart, $3  }
0xc1: {  	[dreg:$0x1] =	wrdreg $0xFFFFFFFF  }
0xc2: {  	_ =	task.clear_ibuf [dreg:s7], $0x2FFFF;
	_ =	strace $0x9FFFFFFF  }
0xc3: {  	(tm) =	ssettm $0x7FFFFFFF  }
tec
execute0_lowered:
.L_overlay_start_1:
0x0: {  	(tag) =	ssettag $0x1  }
0x1: {  	s5 =	rddreg [dreg:$0x0]  }
0x2: {  	s1 =	rddreg [dreg:$0x1]  }
0x3: {  	s3 =	rddreg [dreg:$0x2]  }
0x4: {  	s0 =	rddreg [dreg:$0x3];
	s6 =	srdreg.scid  }
0x5: {  	s4 =	simm.s32 $0x0;
	s2 =	stileid.u32;
	s15 =	simm.s32 $0x1  }
0x6: {  	s16 =	simm.s32 $0x2000;
	s17 =	simm.s32 $0x4000;
	s18 =	simm.s32 $0x6000  }
0x7: {  	s19 =	simm.s32 $0x7000;
	s20 =	simm.s32 $0x8000;
	s22 =	simm.s32 $0xA000  }
0x8: {  	s23 =	simm.s32 $0xA810;
	s24 =	simm.s32 $0xA820;
	s6 =	sand.u32 $0x1, s6  }
0x9: {  	[smem:$0x7FF] =	sst s4;
	s8 =	sshrl.u32 s2, $0x1;
	s9 =	sadd.s32 $0x400, s5  }
0xa: {  	s25 =	sand.u32 $0x1, s2;
	s11 =	sshll.u32 s2, $0x5;
	s7 =	sshll.u32 s6, $0x3  }
0xb: {  	_ =	strace $0x80000047;
	s29 =	ssub.s32 $0x2, s6;
	s21 =	sshll.u32 s25, $0xC  }
0xc: {  	s12 =	sadd.s32 s11, s3;
	p0 =	sne.s32 s25, $0x0;
	s7 =	sor.u32 s8, s7  }
0xd: {  	s6 =	sshrl.u32 s29, $0x1;
	s8 =	sshll.u32 s7, $0x8;
	s7 =	smul.u32 $0x6000, s7  }
0xe: {  	s25 =	simm.s32 $0x0;
	s14 =	ssub.s32 s29, s6;
	s13 =	sadd.s32 s8, s5  }
0xf: {  	s14 =	smax.u32 s14, $0x1;
	s30 =	sshrl.u32 s7, $0x3;
	s7 =	sor.u32 s21, s7  }
0x10: {  	v0 =	vlaneseq.u32;
	s13 =	sadd.s32 $0xC400, s13;
	s5 =	sadd.s32 s9, s30;
	s31 =	sshrl.u32 s7, $0x3  }
0x11: {  	v1 =	vimm.s32 $0x0;
	v0 =	vor.u32 s21, v0;
	s21 =	simm.s32 $0xA800;
	s6 =	sadd.s32 $0x400, s5;
	s8 =	sadd.s32 s9, s31  }
0x12: {  	v2 =	vimm.f32 $+Inf;
	vm0 =	vmmov $0x1;
	v3 =	vimm.s32 $0x1;
	s7 =	sadd.s32 $0x800, s5;
	s9 =	sadd.s32 $0x400, s8;
	s10 =	sadd.s32 $0x800, s8  }
.LBB2_1:
0x13: {  	[tilespmem:s4], [sflag:$0x1] =	stream.linear.gather [hbm4b:s5+s4], $0x2000, $0x38;
	[tilespmem:$0xA850] =	vst v63  }
0x14: {  	_ =	swait.ge [sflag:s15], $0x2000  }
0x15: {  	[sflag:s15] =	ssyncset.done $0x0  }
0x16: {  	[sflag:s15] =	ssyncadd.s32 $0xFFFFE000  }
0x17: {  	[tilespmem:s16], [sflag:$0x1] =	stream.linear.gather [hbm4b:s6+s4], $0x2000, $0x38;
	[tilespmem:$0xA850] =	vst v63  }
0x18: {  	_ =	swait.ge [sflag:s15], $0x2000  }
0x19: {  	[sflag:s15] =	ssyncset.done $0x0  }
0x1a: {  	[sflag:s15] =	ssyncadd.s32 $0xFFFFE000  }
0x1b: {  	[tilespmem:s17], [sflag:$0x1] =	stream.linear.gather [hbm4b:s7+s4], $0x2000, $0x38;
	[tilespmem:$0xA850] =	vst v63  }
0x1c: {  	_ =	swait.ge [sflag:s15], $0x2000  }
0x1d: {  	[sflag:s15] =	ssyncset.done $0x0  }
0x1e: {  	[sflag:s15] =	ssyncadd.s32 $0xFFFFE000  }
0x1f: {  	[tilespmem:s18], [sflag:$0x1] =	stream.linear.gather [hbm4b:s8+s4], $0x1000, $0x38;
	[tilespmem:$0xA850] =	vst v63  }
0x20: {  	_ =	swait.ge [sflag:s15], $0x1000  }
0x21: {  	[sflag:s15] =	ssyncset.done $0x0  }
0x22: {  	[sflag:s15] =	ssyncadd.s32 $0xFFFFF000  }
0x23: {  	[tilespmem:s19], [sflag:$0x1] =	stream.linear.gather [hbm4b:s9+s4], $0x1000, $0x38;
	[tilespmem:$0xA850] =	vst v63  }
0x24: {  	_ =	swait.ge [sflag:s15], $0x1000  }
0x25: {  	[sflag:s15] =	ssyncset.done $0x0  }
0x26: {  	[sflag:s15] =	ssyncadd.s32 $0xFFFFF000  }
0x27: {  	[tilespmem:s20], [sflag:$0x1] =	stream.linear.gather [hbm4b:s10+s4], $0x1000, $0x38;
	[tilespmem:$0xA850] =	vst v63  }
0x28: {  	_ =	swait.ge [sflag:s15], $0x1000  }
0x29: {  	[sflag:s15] =	ssyncset.done $0x0  }
0x2a: {  	[sflag:s15] =	ssyncadd.s32 $0xFFFFF000  }
0x2b: {  	[tilespmem:s21], [sflag:$0x1] =	stream.linear.gather [hbm4b:s1+s4], $0x10, $0x38;
	[tilespmem:$0xA850] =	vst v63  }
0x2c: {  	_ =	swait.ge [sflag:s15], $0x10  }
0x2d: {  	[sflag:s15] =	ssyncset.done $0x0  }
0x2e: {  	[sflag:s15] =	ssyncadd.s32 $0xFFFFFFF0  }
0x2f: {  	v4 =	vld [tilespmem:$0xA800];
	_ =	sdelay $0x4  }
0x30: {  	s26 =	simm.s32 $0x40;
	s28 =	simm.s32 $0x0;
	[tilespmem:v1+s22+$0x0] =	vst.idx.msk $0x1, v4  }
.LBB2_2:
0x31: {  	p1 =	sne.s32 s26, $0x3FC0;
	[tilespmem:s28+$0x9000] =	vst v2;
	s28 =	smov.u32 s26;
	s26 =	sadd.s32 $0x40, s26  }
.Ltmp0:
0x32: {  	(pc) =	sbr.rel @p1 .LBB2_2-.Ltmp0, $2  }
0x33: {  	_ =	sdelay $0x2  }
0x34: {  	s28 =	sshra.s32 s28, $0x2  }
0x35: {  	[tilespmem:s28+$0x9000] =	vst v2;
	s26 =	simm.s32 $0x0;
	s28 =	simm.s32 $0x0  }
.LBB2_4:
0x36: {  	v4 =	vmov s28;
	_ =	sdelay $0x4  }
0x37: {  	v6 =	vld.idx.msk [tilespmem:v4+s22+$0x0], $0xffff;
	_ =	sdelay $0x1  }
0x38: {  	s30 =	simm.s32 $0x0  }
0x39: {  	v7 =	vld [tilespmem:s30+$0x8030]  }
0x3a: {  	v8 =	vld [tilespmem:s30+$0x8020]  }
0x3b: {  	v9 =	vld [tilespmem:s30+$0x6030]  }
0x3c: {  	v10 =	vld [tilespmem:s30+$0x6020]  }
0x3d: {  	v11 =	vld [tilespmem:s30+$0x8000]  }
0x3e: {  	v5 =	vld.idx.msk [tilespmem:v6+s26+$0x0], $0xffff  }
0x3f: {  	v4 =	vld.idx.msk [tilespmem:v6+s16+$0x0], $0xffff  }
0x40: {  	v6 =	vld.idx.msk [tilespmem:v6+s17+$0x0], $0xffff  }
0x41: {  	v12 =	vld [tilespmem:s30+$0x6000]  }
0x42: {  	v13 =	vld [tilespmem:s30+$0x7000]  }
0x43: {  	v14 =	vld [tilespmem:s30+$0x6010]  }
0x44: {  	v15 =	vld [tilespmem:s30+$0x7010]  }
0x45: {  	v17 =	vld [tilespmem:s30+$0x7020];
	v16 =	vsub.f32 v8, v6  }
0x46: {  	v18 =	vld [tilespmem:s30+$0x8010];
	v7 =	vsub.f32 v7, v6;
	v19 =	vsub.f32 v9, v5  }
0x47: {  	v9 =	vsub.f32 v12, v5;
	v12 =	vsub.f32 v13, v4;
	v13 =	vld [tilespmem:s30+$0x7030]  }
0x48: {  	v11 =	vsub.f32 v11, v6;
	v14 =	vsub.f32 v14, v5  }
0x49: {  	v15 =	vsub.f32 v15, v4;
	v10 =	vsub.f32 v10, v5  }
0x4a: {  	v17 =	vsub.f32 v17, v4;
	v21 =	vmul.f32 v9, v9;
	v12 =	vmul.f32 v12, v12  }
0x4b: {  	v22 =	vld [tilespmem:s30+$0x9000];
	v18 =	vsub.f32 v18, v6;
	v11 =	vmul.f32 v11, v11;
	v14 =	vmul.f32 v14, v14  }
0x4c: {  	v61 =	vld [tilespmem:s30+$0x9010];
	v15 =	vmul.f32 v15, v15;
	v23 =	vmul.f32 v10, v10;
	v13 =	vsub.f32 v13, v4  }
0x4d: {  	s29 =	simm.s32 $0x40;
	v24 =	vld [tilespmem:s30+$0x9020];
	v17 =	vmul.f32 v17, v17;
	v16 =	vmul.f32 v16, v16;
	v12 =	vadd.f32 v12, v21  }
0x4e: {  	v8 =	vld [tilespmem:s29+$0x8030];
	v19 =	vmul.f32 v19, v19;
	v14 =	vadd.f32 v15, v14;
	v13 =	vmul.f32 v13, v13  }
0x4f: {  	v9 =	vld [tilespmem:s29+$0x8020];
	v18 =	vmul.f32 v18, v18;
	v17 =	vadd.f32 v17, v23;
	v12 =	vadd.f32 v11, v12  }
0x50: {  	v20 =	vimm.f32 $-Inf;
	v10 =	vld [tilespmem:s29+$0x6030];
	v7 =	vmul.f32 v7, v7;
	v13 =	vadd.f32 v13, v19  }
0x51: {  	v15 =	vld [tilespmem:s30+$0x9030];
	v14 =	vadd.f32 v18, v14;
	v18 =	vadd.f32 v16, v17;
	v22 =	vmin.f32 v22, v12  }
0x52: {  	v11 =	vld [tilespmem:s29+$0x8010];
	[tilespmem:s30+$0x9000] =	vst v22;
	vm1 =	vgt.f32 v22, v20;
	v17 =	vadd.f32 v7, v13;
	v7 =	vadd.s32 $0x10, v0  }
0x53: {  	v62 =	vimm.s32 $0x7FFFFFFF;
	v19 =	vmin.f32 v61, v14;
	v12 =	vld [tilespmem:s29+$0x6020];
	v20 =	vsel vm1, v22, v20  }
0x54: {  	v63 =	vsel vm1, v0, v62;
	v14 =	vld [tilespmem:s29+$0x8000];
	[tilespmem:s30+$0x9010] =	vst v19;
	vm1 =	vgt.f32 v19, v20  }
0x55: {  	s31 =	simm.s32 $0x200;
	v18 =	vmin.f32 v24, v18;
	v16 =	vld [tilespmem:s29+$0x6000];
	v19 =	vsel vm1, v19, v20;
	v13 =	vsel vm1, v7, v63;
	v7 =	vmovc v0  }
.LBB2_5:
0x56: {  	p1 =	sne.s32 s31, $0x3F00;
	v20 =	vld [tilespmem:s29+$0x7000];
	[tilespmem:s30+$0x9020] =	vst v18;
	vm1 =	vgt.f32 v18, v19;
	v21 =	vadd.s32 $0x20, v7;
	v22 =	vadd.s32 $0x30, v7  }
0x57: {  	v23 =	vld [tilespmem:s29+$0x6010];
	v15 =	vmin.f32 v15, v17;
	v17 =	vsel vm1, v18, v19;
	v13 =	vsel vm1, v21, v13  }
0x58: {  	v9 =	vsub.f32 v9, v6;
	v19 =	vsub.f32 v8, v6;
	v18 =	vld [tilespmem:s29+$0x7010];
	[tilespmem:s30+$0x9030] =	vst v15;
	vm1 =	vgt.f32 v15, v17;
	s30 =	smov.u32 s29  }
0x59: {  	v24 =	vsub.f32 v10, v5;
	v21 =	vld [tilespmem:s30+$0x7020];
	v17 =	vsel vm1, v15, v17;
	v13 =	vsel vm1, v22, v13  }
0x5a: {  	v11 =	vsub.f32 v11, v6;
	v10 =	vsub.f32 v12, v5  }
0x5b: {  	v12 =	vsub.f32 v16, v5;
	v15 =	vsub.f32 v20, v4;
	v16 =	vld [tilespmem:s30+$0x7030]  }
0x5c: {  	v7 =	vadd.s32 $0x40, v7;
	s29 =	sshra.s32 s31, $0x2;
	v14 =	vsub.f32 v14, v6;
	v20 =	vsub.f32 v23, v5  }
0x5d: {  	v12 =	vmul.f32 v12, v12;
	v8 =	vld [tilespmem:s29+$0x8030];
	v15 =	vmul.f32 v15, v15;
	v18 =	vsub.f32 v18, v4  }
0x5e: {  	v14 =	vmul.f32 v14, v14;
	v23 =	vmul.f32 v9, v9;
	v22 =	vld [tilespmem:s30+$0x9000];
	v21 =	vsub.f32 v21, v4  }
0x5f: {  	v9 =	vld [tilespmem:s29+$0x8020];
	v12 =	vadd.f32 v15, v12;
	v15 =	vmul.f32 v20, v20;
	v18 =	vmul.f32 v18, v18  }
0x60: {  	v25 =	vmul.f32 v10, v10;
	v20 =	vld [tilespmem:s30+$0x9010];
	v21 =	vmul.f32 v21, v21;
	v16 =	vsub.f32 v16, v4  }
0x61: {  	v10 =	vld [tilespmem:s29+$0x6030];
	v12 =	vadd.f32 v14, v12;
	v14 =	vadd.f32 v18, v15;
	v15 =	vmul.f32 v11, v11  }
0x62: {  	v24 =	vmul.f32 v24, v24;
	v18 =	vadd.f32 v21, v25;
	v21 =	vld [tilespmem:s30+$0x9020];
	v16 =	vmul.f32 v16, v16  }
.Ltmp1:
0x63: {  	v19 =	vmul.f32 v19, v19;
	v11 =	vld [tilespmem:s29+$0x8010];
	v22 =	vmin.f32 v22, v12;
	v14 =	vadd.f32 v15, v14;
	(pc) =	sbr.rel @p1 .LBB2_5-.Ltmp1, $4  }
0x64: {  	v18 =	vadd.f32 v23, v18;
	v16 =	vadd.f32 v16, v24;
	v15 =	vld [tilespmem:s30+$0x9030];
	[tilespmem:s30+$0x9000] =	vst v22;
	vm1 =	vgt.f32 v22, v17  }
0x65: {  	v12 =	vld [tilespmem:s29+$0x6020];
	v20 =	vmin.f32 v20, v14;
	v22 =	vsel vm1, v22, v17;
	v13 =	vsel vm1, v7, v13  }
0x66: {  	v23 =	vadd.s32 $0x10, v7;
	v14 =	vld [tilespmem:s29+$0x8000];
	v17 =	vadd.f32 v19, v16;
	[tilespmem:s30+$0x9010] =	vst v20;
	vm1 =	vgt.f32 v20, v22  }
0x67: {  	s31 =	sadd.s32 $0x100, s31;
	v16 =	vld [tilespmem:s29+$0x6000];
	v18 =	vmin.f32 v21, v18;
	v19 =	vsel vm1, v20, v22;
	v13 =	vsel vm1, v23, v13  }
0x68: {  	v20 =	vld [tilespmem:s29+$0x7000];
	[tilespmem:s30+$0x9020] =	vst v18  }
0x69: {  	v21 =	vld [tilespmem:s29+$0x6010];
	v15 =	vmin.f32 v15, v17  }
0x6a: {  	v41 =	vld [tilespmem:s29+$0x7010];
	[tilespmem:s30+$0x9030] =	vst v15  }
0x6b: {  	vm1 =	vgt.f32 v18, v19;
	v9 =	vsub.f32 v9, v6;
	v8 =	vsub.f32 v8, v6;
	v22 =	vld [tilespmem:s29+$0x7020]  }
0x6c: {  	v10 =	vsub.f32 v10, v5;
	v11 =	vsub.f32 v11, v6;
	v18 =	vsel vm1, v18, v19  }
0x6d: {  	vm2 =	vgt.f32 v15, v18;
	v43 =	vld [tilespmem:s29+$0x7030];
	v16 =	vsub.f32 v16, v5;
	v42 =	vsub.f32 v20, v4  }
0x6e: {  	v11 =	vmul.f32 v11, v11;
	v44 =	vsub.f32 v14, v6;
	v45 =	vsub.f32 v21, v5  }
0x6f: {  	v16 =	vmul.f32 v16, v16;
	v17 =	vsub.f32 v41, v4;
	v46 =	vmul.f32 v42, v42  }
0x70: {  	v47 =	vld [tilespmem:s29+$0x9000];
	v6 =	vmul.f32 v44, v44;
	v5 =	vsub.f32 v12, v5;
	v48 =	vsub.f32 v22, v4  }
0x71: {  	v14 =	vmul.f32 v45, v45;
	v17 =	vmul.f32 v17, v17;
	v16 =	vadd.f32 v46, v16  }
0x72: {  	v9 =	vmul.f32 v9, v9;
	v49 =	vld [tilespmem:s29+$0x9010];
	v5 =	vmul.f32 v5, v5;
	v4 =	vsub.f32 v43, v4  }
0x73: {  	v19 =	vmul.f32 v48, v48;
	v14 =	vadd.f32 v17, v14;
	v6 =	vadd.f32 v6, v16  }
0x74: {  	v10 =	vmul.f32 v10, v10;
	v15 =	vsel vm2, v15, v18;
	v50 =	vld [tilespmem:s29+$0x9020];
	v4 =	vmul.f32 v4, v4  }
0x75: {  	v5 =	vadd.f32 v19, v5;
	v11 =	vadd.f32 v11, v14;
	v6 =	vmin.f32 v47, v6  }
0x76: {  	v8 =	vmul.f32 v8, v8;
	v51 =	vld [tilespmem:s29+$0x9030];
	v4 =	vadd.f32 v4, v10;
	vm3 =	vgt.f32 v6, v15  }
0x77: {  	v5 =	vadd.f32 v9, v5;
	v52 =	vmin.f32 v49, v11;
	v53 =	vsel vm3, v6, v15  }
0x78: {  	vm4 =	vgt.f32 v52, v53  }
0x79: {  	v4 =	vadd.f32 v8, v4;
	v5 =	vmin.f32 v50, v5;
	v54 =	vsel vm4, v52, v53  }
0x7a: {  	vm5 =	vgt.f32 v5, v54  }
0x7b: {  	v4 =	vmin.f32 v51, v4;
	v8 =	vsel vm5, v5, v54  }
0x7c: {  	vm6 =	vgt.f32 v4, v8  }
0x7d: {  	v8 =	vsel vm6, v4, v8  }
0x7e: {  	(xrf0) =	vmax.scan.msk.f32 $0xffff, v8;
	_ =	sdelay $0x1  }
0x7f: {  	v55 =	vadd.s32 $0x20, v7  }
0x80: {  	v56 =	vadd.s32 $0x30, v7;
	v9 =	vsel vm1, v55, v13  }
0x81: {  	v57 =	vadd.s32 $0x40, v7;
	v9 =	vsel vm2, v56, v9  }
0x82: {  	v58 =	vadd.s32 $0x10, v57;
	v9 =	vsel vm3, v57, v9  }
0x83: {  	v59 =	vadd.s32 $0x20, v57;
	v9 =	vsel vm4, v58, v9;
	v60, _, _ =	vpop (xrf0)  }
0x84: {  	v7 =	vadd.s32 $0x30, v57;
	v9 =	vsel vm5, v59, v9;
	v61 =	vbroadcast v60, $0xF  }
0x85: {  	v7 =	vsel vm6, v7, v9  }
0x86: {  	v7 =	vxor.u32 $0x80000000, v7;
	vm1 =	veq.f32 v8, v61  }
0x87: {  	v7 =	vnsel vm1, $0xFFFFFFFF, v7  }
0x88: {  	(xrf0) =	vmin.scan.msk.u32 $0xffff, v7;
	_ =	sdelay $0x5  }
0x89: {  	v7, _, _ =	vpop (xrf0)  }
0x8a: {  	(v2sf) =	vpush v7, $0xF;
	_ =	sdelay $0xe  }
0x8b: {  	[tilespmem:s29+$0x9000] =	vst v6;
	s31 =	spop (v2sf)  }
0x8c: {  	[tilespmem:s29+$0x9010] =	vst v52;
	s30 =	sxor.u32 $0x80000000, s31  }
0x8d: {  	[tilespmem:s29+$0x9020] =	vst v5;
	s31 =	sshll.u32 s28, $0x4;
	v5 =	vmov s30  }
0x8e: {  	[tilespmem:s29+$0x9030] =	vst v4;
	s29 =	sand.u32 $0x10, s31;
	v4 =	vsel vm0, v61, v5  }
0x8f: {  	s31 =	sadd.s32 s29, s12;
	[tilespmem:$0xA810] =	vst v4  }
0x90: {  	[spmem:s31] =	stream.linear.scatter [tilespmem:s23], [sflag:$0x1], $0x10, $0x38;
	[tilespmem:$0xA850] =	vst v63  }
0x91: {  	_ =	swait.ge [sflag:s15], $0x10  }
0x92: {  	s29 =	sor.u32 s11, s29;
	[sflag:s15] =	ssyncset.done $0x0  }
0x93: {  	s29 =	sxor.u32 $0x20, s29;
	[sflag:s15] =	ssyncadd.s32 $0xFFFFFFF0  }
0x94: {  	s29 =	sadd.s32 s29, s3;
	[bflag:$0x0] =	sbarrier.arrive $0xFFFF  }
0x95: {  	[tilespmem:s24], [sflag:$0x1] =	stream.linear.gather [spmem:s29], $0x10, $0x38;
	[tilespmem:$0xA850] =	vst v63  }
0x96: {  	_ =	swait.ge [sflag:s15], $0x10  }
0x97: {  	[sflag:s15] =	ssyncset.done $0x0  }
0x98: {  	[sflag:s15] =	ssyncadd.s32 $0xFFFFFFF0  }
0x99: {  	v4 =	vld.msk [tilespmem:s24+$0x0], $0xffff  }
0x9a: {  	v62 =	vld.idx.msk [tilespmem:v3+s24+$0x0], $0xffff;
	_ =	sdelay $0x2  }
0x9b: {  	s28 =	sadd.s32 $0x1, s28  }
0x9c: {  	v63 =	vmov s28;
	p1 =	sne.s32 s28, $0x7FF  }
.Ltmp2:
0x9d: {  	vm1 =	veq.f32 v4, v61;
	vm2 =	vgt.s32 v5, v62;
	(pc) =	sbr.rel @p1 .LBB2_4-.Ltmp2, $4  }
0x9e: {  	vm3 =	vgt.f32 v4, v61;
	vm1 =	vmand vm1, vm2  }
0x9f: {  	vm1 =	vmor vm3, vm1  }
0xa0: {  	v4 =	vnsel vm1, s30, v62  }
0xa1: {  	[tilespmem:v63+s22+$0x0] =	vst.idx.msk $0x1, v4  }
0xa2: {  	s26 =	simm.s32 @!p0 $0x0;
	s28 =	simm.s32 @!p0 $0xA000;
	s25 =	sadd.s32 $0x1, s25  }
0xa3: {  	[hbm4b:s13+s26] =	stream.linear.scatter @!p0 [tilespmem:s28], [sflag:$0x1], $0x800, $0x38;
	[tilespmem:$0xA850] =	vst v63  }
0xa4: {  	p1 =	sne.s32 s25, s14  }
.Ltmp3:
0xa5: {  	_ = 	snop;
	(pc) =	sbr.rel @p1 .LBB2_1-.Ltmp3, $4  }
0xa6: {  	s26 =	simm.s32 @!p0 $0x1  }
0xa7: {  	_ =	swait.ge @!p0 [sflag:s26], $0x800  }
0xa8: {  	[sflag:s26] =	ssyncset.done @!p0 $0x0  }
0xa9: {  	[sflag:s26] =	ssyncadd.s32 @!p0 $0xFFFFF800  }
0xaa: {  	_ =	sfence.sel $0x180000  }
0xab: {  	[bflag:$0x0] =	sbarrier.arrive $0xFFFF  }
0xac: {  	p0 =	sne.s32 s2, $0x0;
	_ =	strace $0x90000047  }
0xad: {  	s0 =	sadd.s32 @!p0 $0x100000, s0;
	[bflag:$0x2] =	sbarrier.arrive $0xFFFF  }
0xae: {  	[sflag:s0] =	ssyncadd.tile.s32 @!p0 $0x1;
	_ =	shalt  }
.Lfunc_end2:
_tile_overlayer_lowered:
.L_overlay_start_2:
0xaf: {  	(tag) =	ssettag $0x2  }
0xb0: {  	s0 =	rddreg [dreg:$0x0];
	s2 =	stileid.u32  }
0xb1: {  	s1 =	rddreg [dreg:$0x1];
	p0 =	sne.s32 s2, $0x0  }
0xb2: {  	s3 =	rddreg [dreg:$0x2];
	[bflag:$0x3] =	sbarrier.arrive $0xFFFF;
	s2 =	simm.s32 @!p0 $0x1C01  }
0xb3: {  	[timem:s3], [sflag:s2] =	dma.local @!p0 [hbm:s0], s1  }
0xb4: {  	s0 =	simm.s32 @!p0 $0x1  }
0xb5: {  	_ =	swait.ge @!p0 [sflag:s0], s1  }
0xb6: {  	s1 =	ssub.s32 @!p0 $0x0, s1;
	[sflag:s0] =	ssyncset.done @!p0 $0x0  }
0xb7: {  	[sflag:s0] =	ssyncadd.s32 @!p0 s1  }
0xb8: {  	[bflag:$0x3] =	sbarrier.arrive $0xFFFF  }
0xb9: {  	_ =	shalt  }

</sc_bundles>
